<compile_context>
chip_gen: v7x
topology: tpu7x:2x2x1
jax: 0.10.2.dev20260603
libtpu: 0.0.44.dev20260713+nightly
codegen_flags: <defaults>
</compile_context>

<pallas_src>
import functools

import jax
import jax.numpy as jnp
from jax import lax
from jax.experimental import pallas as pl
from jax.experimental.pallas import tpu as pltpu
from jax.experimental.pallas import tpu_sc as plsc

N_NODES = 10000
N_EDGES = 320000
D_NODE = 128
D_EDGE = 16
D_HIDDEN = 128
D_OUT = 128
N_GRAPHS = 64

NC = 2
NS = 16
CHUNK = 128
N_PAD = 10240
E_PAD = 327680
ROWS_PER_TILE = N_PAD // NS
NBLK = N_PAD // CHUNK
EBLK = 16384
CH2 = 64
NCH = E_PAD // CH2
CHT0 = 240
CHT1 = 80
HALF = 40
NPAIR = HALF // 2


def _mm_body(x_ref, w_ref, y_ref):
    y_ref[...] = jnp.dot(x_ref[...], w_ref[...],
                         preferred_element_type=jnp.float32,
                         precision=jax.lax.Precision.HIGHEST)


NROWBLK = 1024


def _node_proj(x_p, w1a):
    return pl.pallas_call(
        _mm_body,
        grid=(N_PAD // NROWBLK,),
        in_specs=[
            pl.BlockSpec((NROWBLK, D_NODE), lambda i: (i, 0)),
            pl.BlockSpec((D_NODE, D_HIDDEN), lambda i: (0, 0)),
        ],
        out_specs=pl.BlockSpec((NROWBLK, D_HIDDEN), lambda i: (i, 0)),
        out_shape=jax.ShapeDtypeStruct((N_PAD, D_HIDDEN), jnp.float32),
    )(x_p, w1a)


def _ep_body(ea_ref, w_ref, p_ref):
    p_ref[...] = jnp.dot(ea_ref[...], w_ref[...],
                         preferred_element_type=jnp.float32)


def _edge_proj(ea, w1b):
    return pl.pallas_call(
        _ep_body,
        grid=(E_PAD // EBLK,),
        in_specs=[
            pl.BlockSpec((EBLK, D_EDGE),
                         lambda i: (jnp.minimum(i, N_EDGES // EBLK - 1), 0)),
            pl.BlockSpec((D_EDGE, D_HIDDEN), lambda i: (0, 0)),
        ],
        out_specs=pl.BlockSpec((EBLK, D_HIDDEN), lambda i: (i, 0)),
        out_shape=jax.ShapeDtypeStruct((E_PAD, D_HIDDEN), jnp.float32),
    )(ea, w1b)


def _sc_body(y_hbm, p_hbm, src_hbm, dst2_hbm, zy_hbm, agg_out,
             src_v, dst2_v, rp0, rp1, agg_s, sg0, sg1, ss0, ss1):
    c = lax.axis_index("c")
    s = lax.axis_index("s")
    wid = s * NC + c

    del wid
    rbase = s * ROWS_PER_TILE
    tchunk = jnp.where(c == 0, s * CHT0, NS * CHT0 + s * CHT1)
    nstage = jnp.where(c == 0, CHT0 // HALF, CHT1 // HALF)

    pltpu.sync_copy(zy_hbm, rp0)
    for k in range(ROWS_PER_TILE // CHUNK):
        pltpu.sync_copy(rp0, agg_s.at[pl.ds(rbase + k * CHUNK, CHUNK)])
    plsc.subcore_barrier()

    def half(h, carry):
        hbase = tchunk + h * HALF
        pltpu.sync_copy(src_hbm.at[pl.ds(hbase, HALF)], src_v)
        pltpu.sync_copy(dst2_hbm.at[pl.ds(hbase, HALF)], dst2_v)

        def load(row, rp, sem):
            pltpu.async_copy(y_hbm.at[src_v.at[row]], rp.at[pl.ds(0, CH2)], sem)
            pltpu.async_copy(p_hbm.at[pl.ds((hbase + row) * CH2, CH2)],
                             rp.at[pl.ds(CH2, CH2)], sem)

        def wait_load(row, rp, sem):
            pltpu.make_async_copy(y_hbm.at[src_v.at[row]],
                                  rp.at[pl.ds(0, CH2)], sem).wait()
            pltpu.make_async_copy(p_hbm.at[pl.ds(0, CH2)],
                                  rp.at[pl.ds(CH2, CH2)], sem).wait()

        def scat(row, rp, sem):
            pltpu.async_copy(rp, agg_s.at[dst2_v.at[row]], sem, add=True)

        def wait_scat(row, rp, sem):
            pltpu.make_async_copy(rp, agg_s.at[dst2_v.at[row]], sem).wait()

        load(0, rp0, sg0)
        load(1, rp1, sg1)

        def pair(g, carry2):
            r0 = 2 * g
            r1 = 2 * g + 1
            wait_load(r0, rp0, sg0)
            scat(r0, rp0, ss0)
            wait_load(r1, rp1, sg1)
            scat(r1, rp1, ss1)

            @pl.when(g < NPAIR - 1)
            def _():
                wait_scat(r0, rp0, ss0)
                load(r0 + 2, rp0, sg0)
                wait_scat(r1, rp1, ss1)
                load(r1 + 2, rp1, sg1)

            @pl.when(g == NPAIR - 1)
            def _():
                wait_scat(r0, rp0, ss0)
                wait_scat(r1, rp1, ss1)

            return carry2

        lax.fori_loop(0, NPAIR, pair, 0)
        return carry

    def half_guarded(h, carry):
        @pl.when(h < nstage)
        def _():
            half(h, 0)

        return carry

    lax.fori_loop(0, CHT0 // HALF, half_guarded, 0)
    plsc.subcore_barrier()

    for k in range(ROWS_PER_TILE // CHUNK):
        row0 = rbase + k * CHUNK
        pltpu.sync_copy(agg_s.at[pl.ds(row0, CHUNK)], rp0)
        pltpu.sync_copy(rp0, agg_out.at[c, pl.ds(row0, CHUNK)])


def _sc_edge(y, p, src64, dst2, zy):
    mesh = plsc.VectorSubcoreMesh(core_axis_name="c", subcore_axis_name="s",
                                  num_cores=NC)
    fn = functools.partial(
        pl.kernel,
        mesh=mesh,
        out_type=jax.ShapeDtypeStruct((NC, N_PAD, D_HIDDEN), jnp.float32),
        scratch_types=[
            pltpu.VMEM((HALF, CH2), jnp.int32),
            pltpu.VMEM((HALF, 2 * CH2), jnp.int32),
            pltpu.VMEM((CHUNK, D_HIDDEN), jnp.float32),
            pltpu.VMEM((CHUNK, D_HIDDEN), jnp.float32),
            pltpu.VMEM_SHARED((N_PAD, D_HIDDEN), jnp.float32),
            pltpu.SemaphoreType.DMA,
            pltpu.SemaphoreType.DMA,
            pltpu.SemaphoreType.DMA,
            pltpu.SemaphoreType.DMA,
        ],
    )(_sc_body)
    return fn(y, p, src64, dst2, zy)


def _post_body(agg_ref, b1_ref, w2_ref, b2_ref, batch_ref,
               out_ref, sums_ref, cnts_ref):
    i = pl.program_id(0)

    @pl.when(i == 0)
    def _():
        sums_ref[...] = jnp.zeros_like(sums_ref)
        cnts_ref[...] = jnp.zeros_like(cnts_ref)

    pre = sum(agg_ref[i] for i in range(NC)) + b1_ref[...]
    h = jnp.maximum(pre, 0.0)
    h2 = jnp.dot(h, w2_ref[...],
                 preferred_element_type=jnp.float32,
                 precision=jax.lax.Precision.HIGHEST) + b2_ref[...]

    gid = lax.broadcasted_iota(jnp.int32, (N_GRAPHS, CHUNK), 0)
    mask = (batch_ref[0] == gid).astype(jnp.float32)
    sums_ref[...] = sums_ref[...] + jnp.dot(
        mask, h2, preferred_element_type=jnp.float32,
        precision=jax.lax.Precision.HIGHEST)
    cnts_ref[...] = cnts_ref[...] + jnp.sum(mask, axis=1, keepdims=True)

    @pl.when(i == NBLK - 1)
    def _():
        out_ref[...] = sums_ref[...] / jnp.maximum(cnts_ref[...], 1.0)


def _post(agg2, b1r, w2, b2r, batch3):
    return pl.pallas_call(
        _post_body,
        grid=(NBLK,),
        in_specs=[
            pl.BlockSpec((NC, CHUNK, D_HIDDEN), lambda i: (0, i, 0)),
            pl.BlockSpec((1, D_HIDDEN), lambda i: (0, 0)),
            pl.BlockSpec((D_HIDDEN, D_OUT), lambda i: (0, 0)),
            pl.BlockSpec((1, D_OUT), lambda i: (0, 0)),
            pl.BlockSpec((1, 1, CHUNK), lambda i: (i, 0, 0)),
        ],
        out_specs=pl.BlockSpec((N_GRAPHS, D_OUT), lambda i: (0, 0)),
        out_shape=jax.ShapeDtypeStruct((N_GRAPHS, D_OUT), jnp.float32),
        scratch_shapes=[
            pltpu.VMEM((N_GRAPHS, D_OUT), jnp.float32),
            pltpu.VMEM((N_GRAPHS, 1), jnp.float32),
        ],
    )(agg2, b1r, w2, b2r, batch3)


@jax.jit
def kernel(x, edge_index, edge_attr, batch, W1, b1, W2, b2):
    src = edge_index[0].astype(jnp.int32)
    dst = edge_index[1].astype(jnp.int32)
    pad_e = E_PAD - N_EDGES
    src64 = jnp.concatenate(
        [src, jnp.full((pad_e,), N_NODES, jnp.int32)]).reshape(NCH, CH2)
    dst64 = jnp.concatenate(
        [dst, jnp.full((pad_e,), N_NODES, jnp.int32)]).reshape(NCH, CH2)
    dst2 = jnp.concatenate([dst64, dst64], axis=1)
    x_p = jnp.pad(x, ((0, N_PAD - N_NODES), (0, 0)))
    batch3 = jnp.pad(batch.astype(jnp.int32), (0, N_PAD - N_NODES),
                     constant_values=N_GRAPHS).reshape(NBLK, 1, CHUNK)
    zy = jnp.zeros((CHUNK, D_HIDDEN), jnp.float32)
    w1a = W1[:D_NODE]
    w1b = W1[D_NODE:]
    b1r = b1.reshape(1, D_HIDDEN)
    b2r = b2.reshape(1, D_OUT)

    y = _node_proj(x_p, w1a)
    p = _edge_proj(edge_attr, w1b)
    agg2 = _sc_edge(y, p, src64, dst2, zy)
    return _post(agg2, b1r, W2, b2r, batch3)

# --- scband reference (transcript-rebuilt; emitter-appended) ---
"""Pipeline reference for scband-mpnnencoder-18528488915135 (READ-ONLY COPY).

The authoritative reference and input builder live on the scoring server;
editing this copy changes nothing except your own understanding.
"""

import jax, jax.numpy as jnp
import numpy as np

N_NODES = 10000
N_EDGES = 320000
D_NODE = 128
D_EDGE = 16
D_HIDDEN = 128
D_OUT = 128
N_GRAPHS = 64


def setup_inputs(seed: int = 0) -> dict:
    key = jax.random.key(seed)
    k1, k2, k3, k4, k5, k6, k7, k8 = jax.random.split(key, 8)
    x = jax.random.normal(k1, (N_NODES, D_NODE), dtype=jnp.float32)
    edge_index = jax.random.randint(k2, (2, N_EDGES), 0, N_NODES, dtype=jnp.int64)
    edge_attr = jax.random.normal(k3, (N_EDGES, D_EDGE), dtype=jnp.float32)
    batch = jnp.sort(jax.random.randint(k4, (N_NODES,), 0, N_GRAPHS, dtype=jnp.int64))
    # Linear layer params (PyTorch default init scale)
    lim1 = 1.0 / np.sqrt(D_NODE + D_EDGE)
    W1 = jax.random.uniform(k5, (D_NODE + D_EDGE, D_HIDDEN), dtype=jnp.float32, minval=-lim1, maxval=lim1)
    b1 = jax.random.uniform(k6, (D_HIDDEN,), dtype=jnp.float32, minval=-lim1, maxval=lim1)
    lim2 = 1.0 / np.sqrt(D_HIDDEN)
    W2 = jax.random.uniform(k7, (D_HIDDEN, D_OUT), dtype=jnp.float32, minval=-lim2, maxval=lim2)
    b2 = jax.random.uniform(k8, (D_OUT,), dtype=jnp.float32, minval=-lim2, maxval=lim2)
    return {"x": x, "edge_index": edge_index, "edge_attr": edge_attr, "batch": batch,
            "W1": W1, "b1": b1, "W2": W2, "b2": b2}


def reference(x, edge_index, edge_attr, batch, W1, b1, W2, b2):
    src = edge_index[0]
    dst = edge_index[1]
    # MessagePassing(aggr='add'): message = concat(x_j, edge_attr), scatter-add to dst
    msg = jnp.concatenate([jnp.take(x, src, axis=0), edge_attr], axis=1)
    agg = jnp.zeros((x.shape[0], D_NODE + D_EDGE), dtype=msg.dtype).at[dst].add(msg)
    h = jax.nn.relu(agg @ W1 + b1)
    h = h @ W2 + b2
    # global_mean_pool over graph assignment `batch`
    sums = jax.ops.segment_sum(h, batch, num_segments=N_GRAPHS)
    counts = jnp.bincount(batch, length=N_GRAPHS).astype(h.dtype)
    pooled = sums / jnp.maximum(counts, 1.0)[:, None]
    return pooled

if __name__ == "__main__":
    import jax
    _d = setup_inputs()
    print(jax.jit(kernel)(*tuple(_d.values())))

</pallas_src>

<mosaic_0001>
#map = affine_map<(d0, d1) -> (0, 0)>
#map1 = affine_map<(d0, d1) -> (0, 0, 0)>
module attributes {stable_mosaic.version = 14 : i64} {
  func.func @_sc_body(%arg0: i32, %arg1: i32, %arg2: memref<10240x128xf32, #tpu.memory_space<hbm>>, %arg3: memref<327680x128xf32, #tpu.memory_space<hbm>>, %arg4: memref<5120x64xi32, #tpu.memory_space<hbm>>, %arg5: memref<5120x128xi32, #tpu.memory_space<hbm>>, %arg6: memref<128x128xf32, #tpu.memory_space<hbm>>, %arg7: memref<2x10240x128xf32, #tpu.memory_space<hbm>>, %arg8: memref<40x64xi32, #tpu.memory_space<vmem>>, %arg9: memref<40x128xi32, #tpu.memory_space<vmem>>, %arg10: memref<128x128xf32, #tpu.memory_space<vmem>>, %arg11: memref<128x128xf32, #tpu.memory_space<vmem>>, %arg12: memref<10240x128xf32, #tpu.memory_space<vmem_shared>>, %arg13: memref<!tpu.dma_semaphore, #tpu.memory_space<semaphore_mem>>, %arg14: memref<!tpu.dma_semaphore, #tpu.memory_space<semaphore_mem>>, %arg15: memref<!tpu.dma_semaphore, #tpu.memory_space<semaphore_mem>>, %arg16: memref<!tpu.dma_semaphore, #tpu.memory_space<semaphore_mem>>) attributes {dimension_semantics = [#tpu.dimension_semantics<core_parallel>, #tpu.dimension_semantics<subcore_parallel>], iteration_bounds = array<i64: 2, 16>, scalar_prefetch = 0 : i64, scratch_operands = 9 : i64, tpu.core_type = #tpu.core_type<sc_vector_subcore>, window_params = [{transform_indices = #map}, {transform_indices = #map}, {transform_indices = #map}, {transform_indices = #map}, {transform_indices = #map}, {transform_indices = #map1}]} {
    %mul3A = arith.constant 2 : i32
    %mul3A_0 = arith.muli %arg1, %mul3A : i32
    %add3A = arith.addi %mul3A_0, %arg0 : i32
    %mul3A_1 = arith.constant 640 : i32
    %mul3A_2 = arith.muli %arg1, %mul3A_1 : i32
    %eq3A = arith.constant 0 : i32
    %eq3A_3 = arith.cmpi eq, %arg0, %eq3A : i32
    %mul3A_4 = arith.constant 240 : i32
    %mul3A_5 = arith.muli %arg1, %mul3A_4 : i32
    %mul3A_6 = arith.constant 80 : i32
    %mul3A_7 = arith.muli %arg1, %mul3A_6 : i32
    %add3A_8 = arith.constant 3840 : i32
    %add3A_9 = arith.addi %add3A_8, %mul3A_7 : i32
    %select_n3A = arith.select %eq3A_3, %mul3A_5, %add3A_9 : i32
    %eq3A_10 = arith.constant 0 : i32
    %eq3A_11 = arith.cmpi eq, %arg0, %eq3A_10 : i32
    %jit3A = arith.constant 6 : i32
    %jit3A_12 = arith.constant 2 : i32
    %select_n3A_13 = arith.select %eq3A_11, %jit3A, %jit3A_12 : i32
    "tpu.region"() ({
      %run_scoped3A = tpu.sem_alloc : memref<!tpu.dma_semaphore, #tpu.memory_space<semaphore_mem>>
      tpu.enqueue_dma source(%arg6 : memref<128x128xf32, #tpu.memory_space<hbm>>) target(%arg10 : memref<128x128xf32, #tpu.memory_space<vmem>>) target_semaphore(%run_scoped3A : memref<!tpu.dma_semaphore, #tpu.memory_space<semaphore_mem>>)
      tpu.wait_dma2 semaphore(%run_scoped3A : memref<!tpu.dma_semaphore, #tpu.memory_space<semaphore_mem>>) src(%arg6 : memref<128x128xf32, #tpu.memory_space<hbm>>) dst(%arg10 : memref<128x128xf32, #tpu.memory_space<vmem>>)
      tpu.yield
    }) : () -> ()
    %add3A_14 = arith.constant 0 : i32
    %add3A_15 = arith.addi %mul3A_2, %add3A_14 : i32
    "tpu.region"() ({
      %run_scoped3A = tpu.sem_alloc : memref<!tpu.dma_semaphore, #tpu.memory_space<semaphore_mem>>
      %dma_start3A = arith.constant 0 : i32
      %dma_start3A_40 = tpu.memref_slice %arg12[%add3A_15, %dma_start3A] : memref<10240x128xf32, #tpu.memory_space<vmem_shared>> -> memref<128x128xf32, #tpu.memory_space<vmem_shared>>
      %dma_start3A_41 = arith.constant 0 : i32
      %dma_start3A_42 = tpu.memref_slice %arg12[%add3A_15, %dma_start3A_41] : memref<10240x128xf32, #tpu.memory_space<vmem_shared>> -> memref<128x128xf32, #tpu.memory_space<vmem_shared>>
      tpu.enqueue_dma source(%arg10 : memref<128x128xf32, #tpu.memory_space<vmem>>) target(%dma_start3A_42 : memref<128x128xf32, #tpu.memory_space<vmem_shared>>) target_semaphore(%run_scoped3A : memref<!tpu.dma_semaphore, #tpu.memory_space<semaphore_mem>>)
      %dma_wait3A = arith.constant 0 : i32
      %dma_wait3A_43 = tpu.memref_slice %arg12[%add3A_15, %dma_wait3A] : memref<10240x128xf32, #tpu.memory_space<vmem_shared>> -> memref<128x128xf32, #tpu.memory_space<vmem_shared>>
      %dma_wait3A_44 = arith.constant 0 : i32
      %dma_wait3A_45 = tpu.memref_slice %arg12[%add3A_15, %dma_wait3A_44] : memref<10240x128xf32, #tpu.memory_space<vmem_shared>> -> memref<128x128xf32, #tpu.memory_space<vmem_shared>>
      tpu.wait_dma2 semaphore(%run_scoped3A : memref<!tpu.dma_semaphore, #tpu.memory_space<semaphore_mem>>) src(%arg10 : memref<128x128xf32, #tpu.memory_space<vmem>>) dst(%dma_wait3A_45 : memref<128x128xf32, #tpu.memory_space<vmem_shared>>)
      tpu.yield
    }) : () -> ()
    %add3A_16 = arith.constant 128 : i32
    %add3A_17 = arith.addi %mul3A_2, %add3A_16 : i32
    "tpu.region"() ({
      %run_scoped3A = tpu.sem_alloc : memref<!tpu.dma_semaphore, #tpu.memory_space<semaphore_mem>>
      %dma_start3A = arith.constant 0 : i32
      %dma_start3A_40 = tpu.memref_slice %arg12[%add3A_17, %dma_start3A] : memref<10240x128xf32, #tpu.memory_space<vmem_shared>> -> memref<128x128xf32, #tpu.memory_space<vmem_shared>>
      %dma_start3A_41 = arith.constant 0 : i32
      %dma_start3A_42 = tpu.memref_slice %arg12[%add3A_17, %dma_start3A_41] : memref<10240x128xf32, #tpu.memory_space<vmem_shared>> -> memref<128x128xf32, #tpu.memory_space<vmem_shared>>
      tpu.enqueue_dma source(%arg10 : memref<128x128xf32, #tpu.memory_space<vmem>>) target(%dma_start3A_42 : memref<128x128xf32, #tpu.memory_space<vmem_shared>>) target_semaphore(%run_scoped3A : memref<!tpu.dma_semaphore, #tpu.memory_space<semaphore_mem>>)
      %dma_wait3A = arith.constant 0 : i32
      %dma_wait3A_43 = tpu.memref_slice %arg12[%add3A_17, %dma_wait3A] : memref<10240x128xf32, #tpu.memory_space<vmem_shared>> -> memref<128x128xf32, #tpu.memory_space<vmem_shared>>
      %dma_wait3A_44 = arith.constant 0 : i32
      %dma_wait3A_45 = tpu.memref_slice %arg12[%add3A_17, %dma_wait3A_44] : memref<10240x128xf32, #tpu.memory_space<vmem_shared>> -> memref<128x128xf32, #tpu.memory_space<vmem_shared>>
      tpu.wait_dma2 semaphore(%run_scoped3A : memref<!tpu.dma_semaphore, #tpu.memory_space<semaphore_mem>>) src(%arg10 : memref<128x128xf32, #tpu.memory_space<vmem>>) dst(%dma_wait3A_45 : memref<128x128xf32, #tpu.memory_space<vmem_shared>>)
      tpu.yield
    }) : () -> ()
    %add3A_18 = arith.constant 256 : i32
    %add3A_19 = arith.addi %mul3A_2, %add3A_18 : i32
    "tpu.region"() ({
      %run_scoped3A = tpu.sem_alloc : memref<!tpu.dma_semaphore, #tpu.memory_space<semaphore_mem>>
      %dma_start3A = arith.constant 0 : i32
      %dma_start3A_40 = tpu.memref_slice %arg12[%add3A_19, %dma_start3A] : memref<10240x128xf32, #tpu.memory_space<vmem_shared>> -> memref<128x128xf32, #tpu.memory_space<vmem_shared>>
      %dma_start3A_41 = arith.constant 0 : i32
      %dma_start3A_42 = tpu.memref_slice %arg12[%add3A_19, %dma_start3A_41] : memref<10240x128xf32, #tpu.memory_space<vmem_shared>> -> memref<128x128xf32, #tpu.memory_space<vmem_shared>>
      tpu.enqueue_dma source(%arg10 : memref<128x128xf32, #tpu.memory_space<vmem>>) target(%dma_start3A_42 : memref<128x128xf32, #tpu.memory_space<vmem_shared>>) target_semaphore(%run_scoped3A : memref<!tpu.dma_semaphore, #tpu.memory_space<semaphore_mem>>)
      %dma_wait3A = arith.constant 0 : i32
      %dma_wait3A_43 = tpu.memref_slice %arg12[%add3A_19, %dma_wait3A] : memref<10240x128xf32, #tpu.memory_space<vmem_shared>> -> memref<128x128xf32, #tpu.memory_space<vmem_shared>>
      %dma_wait3A_44 = arith.constant 0 : i32
      %dma_wait3A_45 = tpu.memref_slice %arg12[%add3A_19, %dma_wait3A_44] : memref<10240x128xf32, #tpu.memory_space<vmem_shared>> -> memref<128x128xf32, #tpu.memory_space<vmem_shared>>
      tpu.wait_dma2 semaphore(%run_scoped3A : memref<!tpu.dma_semaphore, #tpu.memory_space<semaphore_mem>>) src(%arg10 : memref<128x128xf32, #tpu.memory_space<vmem>>) dst(%dma_wait3A_45 : memref<128x128xf32, #tpu.memory_space<vmem_shared>>)
      tpu.yield
    }) : () -> ()
    %add3A_20 = arith.constant 384 : i32
    %add3A_21 = arith.addi %mul3A_2, %add3A_20 : i32
    "tpu.region"() ({
      %run_scoped3A = tpu.sem_alloc : memref<!tpu.dma_semaphore, #tpu.memory_space<semaphore_mem>>
      %dma_start3A = arith.constant 0 : i32
      %dma_start3A_40 = tpu.memref_slice %arg12[%add3A_21, %dma_start3A] : memref<10240x128xf32, #tpu.memory_space<vmem_shared>> -> memref<128x128xf32, #tpu.memory_space<vmem_shared>>
      %dma_start3A_41 = arith.constant 0 : i32
      %dma_start3A_42 = tpu.memref_slice %arg12[%add3A_21, %dma_start3A_41] : memref<10240x128xf32, #tpu.memory_space<vmem_shared>> -> memref<128x128xf32, #tpu.memory_space<vmem_shared>>
      tpu.enqueue_dma source(%arg10 : memref<128x128xf32, #tpu.memory_space<vmem>>) target(%dma_start3A_42 : memref<128x128xf32, #tpu.memory_space<vmem_shared>>) target_semaphore(%run_scoped3A : memref<!tpu.dma_semaphore, #tpu.memory_space<semaphore_mem>>)
      %dma_wait3A = arith.constant 0 : i32
      %dma_wait3A_43 = tpu.memref_slice %arg12[%add3A_21, %dma_wait3A] : memref<10240x128xf32, #tpu.memory_space<vmem_shared>> -> memref<128x128xf32, #tpu.memory_space<vmem_shared>>
      %dma_wait3A_44 = arith.constant 0 : i32
      %dma_wait3A_45 = tpu.memref_slice %arg12[%add3A_21, %dma_wait3A_44] : memref<10240x128xf32, #tpu.memory_space<vmem_shared>> -> memref<128x128xf32, #tpu.memory_space<vmem_shared>>
      tpu.wait_dma2 semaphore(%run_scoped3A : memref<!tpu.dma_semaphore, #tpu.memory_space<semaphore_mem>>) src(%arg10 : memref<128x128xf32, #tpu.memory_space<vmem>>) dst(%dma_wait3A_45 : memref<128x128xf32, #tpu.memory_space<vmem_shared>>)
      tpu.yield
    }) : () -> ()
    %add3A_22 = arith.constant 512 : i32
    %add3A_23 = arith.addi %mul3A_2, %add3A_22 : i32
    "tpu.region"() ({
      %run_scoped3A = tpu.sem_alloc : memref<!tpu.dma_semaphore, #tpu.memory_space<semaphore_mem>>
      %dma_start3A = arith.constant 0 : i32
      %dma_start3A_40 = tpu.memref_slice %arg12[%add3A_23, %dma_start3A] : memref<10240x128xf32, #tpu.memory_space<vmem_shared>> -> memref<128x128xf32, #tpu.memory_space<vmem_shared>>
      %dma_start3A_41 = arith.constant 0 : i32
      %dma_start3A_42 = tpu.memref_slice %arg12[%add3A_23, %dma_start3A_41] : memref<10240x128xf32, #tpu.memory_space<vmem_shared>> -> memref<128x128xf32, #tpu.memory_space<vmem_shared>>
      tpu.enqueue_dma source(%arg10 : memref<128x128xf32, #tpu.memory_space<vmem>>) target(%dma_start3A_42 : memref<128x128xf32, #tpu.memory_space<vmem_shared>>) target_semaphore(%run_scoped3A : memref<!tpu.dma_semaphore, #tpu.memory_space<semaphore_mem>>)
      %dma_wait3A = arith.constant 0 : i32
      %dma_wait3A_43 = tpu.memref_slice %arg12[%add3A_23, %dma_wait3A] : memref<10240x128xf32, #tpu.memory_space<vmem_shared>> -> memref<128x128xf32, #tpu.memory_space<vmem_shared>>
      %dma_wait3A_44 = arith.constant 0 : i32
      %dma_wait3A_45 = tpu.memref_slice %arg12[%add3A_23, %dma_wait3A_44] : memref<10240x128xf32, #tpu.memory_space<vmem_shared>> -> memref<128x128xf32, #tpu.memory_space<vmem_shared>>
      tpu.wait_dma2 semaphore(%run_scoped3A : memref<!tpu.dma_semaphore, #tpu.memory_space<semaphore_mem>>) src(%arg10 : memref<128x128xf32, #tpu.memory_space<vmem>>) dst(%dma_wait3A_45 : memref<128x128xf32, #tpu.memory_space<vmem_shared>>)
      tpu.yield
    }) : () -> ()
    %barrier3A = arith.constant 0 : index
    tpu.barrier barrier_id(%barrier3A)
    %scan3A = arith.constant 0 : i32
    %scan3A_24 = arith.constant 0 : i32
    %scan3A_25 = arith.constant 6 : i32
    %scan3A_26 = arith.addi %scan3A_24, %scan3A_25 : i32
    %scan3A_27 = arith.constant 1 : i32
    scf.for %scan3A_40 = %scan3A_24 to %scan3A_26 step %scan3A_27  : i32 {
      %lt3A = arith.cmpi slt, %scan3A_40, %select_n3A_13 : i32
      %convert_element_type3A = arith.extui %lt3A : i1 to i32
      %cond3A = arith.constant 0 : i32
      %cond3A_41 = arith.cmpi ne, %convert_element_type3A, %cond3A : i32
      scf.if %cond3A_41 {
        %mul3A_42 = arith.constant 40 : i32
        %mul3A_43 = arith.muli %scan3A_40, %mul3A_42 : i32
        %add3A_44 = arith.addi %select_n3A, %mul3A_43 : i32
        "tpu.region"() ({
          %run_scoped3A = tpu.sem_alloc : memref<!tpu.dma_semaphore, #tpu.memory_space<semaphore_mem>>
          %dma_start3A_98 = arith.constant 0 : i32
          %dma_start3A_99 = tpu.memref_slice %arg4[%add3A_44, %dma_start3A_98] : memref<5120x64xi32, #tpu.memory_space<hbm>> -> memref<40x64xi32, #tpu.memory_space<hbm>>
          %dma_start3A_100 = arith.constant 0 : i32
          %dma_start3A_101 = tpu.memref_slice %arg4[%add3A_44, %dma_start3A_100] : memref<5120x64xi32, #tpu.memory_space<hbm>> -> memref<40x64xi32, #tpu.memory_space<hbm>>
          tpu.enqueue_dma source(%dma_start3A_101 : memref<40x64xi32, #tpu.memory_space<hbm>>) target(%arg8 : memref<40x64xi32, #tpu.memory_space<vmem>>) target_semaphore(%run_scoped3A : memref<!tpu.dma_semaphore, #tpu.memory_space<semaphore_mem>>)
          %dma_wait3A = arith.constant 0 : i32
          %dma_wait3A_102 = tpu.memref_slice %arg4[%add3A_44, %dma_wait3A] : memref<5120x64xi32, #tpu.memory_space<hbm>> -> memref<40x64xi32, #tpu.memory_space<hbm>>
          %dma_wait3A_103 = arith.constant 0 : i32
          %dma_wait3A_104 = tpu.memref_slice %arg4[%add3A_44, %dma_wait3A_103] : memref<5120x64xi32, #tpu.memory_space<hbm>> -> memref<40x64xi32, #tpu.memory_space<hbm>>
          tpu.wait_dma2 semaphore(%run_scoped3A : memref<!tpu.dma_semaphore, #tpu.memory_space<semaphore_mem>>) src(%dma_wait3A_104 : memref<40x64xi32, #tpu.memory_space<hbm>>) dst(%arg8 : memref<40x64xi32, #tpu.memory_space<vmem>>)
          tpu.yield
        }) : () -> ()
        "tpu.region"() ({
          %run_scoped3A = tpu.sem_alloc : memref<!tpu.dma_semaphore, #tpu.memory_space<semaphore_mem>>
          %dma_start3A_98 = arith.constant 0 : i32
          %dma_start3A_99 = tpu.memref_slice %arg5[%add3A_44, %dma_start3A_98] : memref<5120x128xi32, #tpu.memory_space<hbm>> -> memref<40x128xi32, #tpu.memory_space<hbm>>
          %dma_start3A_100 = arith.constant 0 : i32
          %dma_start3A_101 = tpu.memref_slice %arg5[%add3A_44, %dma_start3A_100] : memref<5120x128xi32, #tpu.memory_space<hbm>> -> memref<40x128xi32, #tpu.memory_space<hbm>>
          tpu.enqueue_dma source(%dma_start3A_101 : memref<40x128xi32, #tpu.memory_space<hbm>>) target(%arg9 : memref<40x128xi32, #tpu.memory_space<vmem>>) target_semaphore(%run_scoped3A : memref<!tpu.dma_semaphore, #tpu.memory_space<semaphore_mem>>)
          %dma_wait3A = arith.constant 0 : i32
          %dma_wait3A_102 = tpu.memref_slice %arg5[%add3A_44, %dma_wait3A] : memref<5120x128xi32, #tpu.memory_space<hbm>> -> memref<40x128xi32, #tpu.memory_space<hbm>>
          %dma_wait3A_103 = arith.constant 0 : i32
          %dma_wait3A_104 = tpu.memref_slice %arg5[%add3A_44, %dma_wait3A_103] : memref<5120x128xi32, #tpu.memory_space<hbm>> -> memref<40x128xi32, #tpu.memory_space<hbm>>
          tpu.wait_dma2 semaphore(%run_scoped3A : memref<!tpu.dma_semaphore, #tpu.memory_space<semaphore_mem>>) src(%dma_wait3A_104 : memref<40x128xi32, #tpu.memory_space<hbm>>) dst(%arg9 : memref<40x128xi32, #tpu.memory_space<vmem>>)
          tpu.yield
        }) : () -> ()
        %dma_start3A = arith.constant 0 : i32
        %dma_start3A_45 = arith.constant 0 : i32
        %dma_start3A_46 = arith.constant 0 : i32
        %dma_start3A_47 = tpu.memref_slice %arg10[%dma_start3A_45, %dma_start3A_46] : memref<128x128xf32, #tpu.memory_space<vmem>> -> memref<64x128xf32, #tpu.memory_space<vmem>>
        %dma_start3A_48 = arith.constant 0 : i32
        %dma_start3A_49 = tpu.memref_slice %arg8[%dma_start3A, %dma_start3A_48] : memref<40x64xi32, #tpu.memory_space<vmem>> -> memref<1x64xi32, #tpu.memory_space<vmem>>
        %dma_start3A_50 = tpu.memref_squeeze %dma_start3A_49 : memref<1x64xi32, #tpu.memory_space<vmem>> -> memref<64xi32, #tpu.memory_space<vmem>>
        %dma_start3A_51 = arith.constant 0 : i32
        %dma_start3A_52 = arith.constant 0 : i32
        %dma_start3A_53 = tpu.memref_slice %arg2[%dma_start3A_51, %dma_start3A_52] : memref<10240x128xf32, #tpu.memory_space<hbm>> -> memref<10240x128xf32, #tpu.memory_space<hbm>>
        tpu.enqueue_indirect_dma source(%dma_start3A_53 : memref<10240x128xf32, #tpu.memory_space<hbm>>) target(%dma_start3A_47 : memref<64x128xf32, #tpu.memory_space<vmem>>) offsets(%dma_start3A_50 : memref<64xi32, #tpu.memory_space<vmem>>) semaphore(%arg13 : memref<!tpu.dma_semaphore, #tpu.memory_space<semaphore_mem>>)
        %add3A_54 = arith.constant 0 : i32
        %add3A_55 = arith.addi %add3A_44, %add3A_54 : i32
        %mul3A_56 = arith.constant 64 : i32
        %mul3A_57 = arith.muli %add3A_55, %mul3A_56 : i32
        %dma_start3A_58 = arith.constant 64 : i32
        %dma_start3A_59 = arith.constant 0 : i32
        %dma_start3A_60 = tpu.memref_slice %arg10[%dma_start3A_58, %dma_start3A_59] : memref<128x128xf32, #tpu.memory_space<vmem>> -> memref<64x128xf32, #tpu.memory_space<vmem>>
        %dma_start3A_61 = arith.constant 0 : i32
        %dma_start3A_62 = tpu.memref_slice %arg3[%mul3A_57, %dma_start3A_61] : memref<327680x128xf32, #tpu.memory_space<hbm>> -> memref<64x128xf32, #tpu.memory_space<hbm>>
        %dma_start3A_63 = arith.constant 64 : i32
        %dma_start3A_64 = arith.constant 0 : i32
        %dma_start3A_65 = tpu.memref_slice %arg10[%dma_start3A_63, %dma_start3A_64] : memref<128x128xf32, #tpu.memory_space<vmem>> -> memref<64x128xf32, #tpu.memory_space<vmem>>
        %dma_start3A_66 = arith.constant 0 : i32
        %dma_start3A_67 = tpu.memref_slice %arg3[%mul3A_57, %dma_start3A_66] : memref<327680x128xf32, #tpu.memory_space<hbm>> -> memref<64x128xf32, #tpu.memory_space<hbm>>
        tpu.enqueue_dma source(%dma_start3A_67 : memref<64x128xf32, #tpu.memory_space<hbm>>) target(%dma_start3A_65 : memref<64x128xf32, #tpu.memory_space<vmem>>) target_semaphore(%arg13 : memref<!tpu.dma_semaphore, #tpu.memory_space<semaphore_mem>>)
        %dma_start3A_68 = arith.constant 1 : i32
        %dma_start3A_69 = arith.constant 0 : i32
        %dma_start3A_70 = arith.constant 0 : i32
        %dma_start3A_71 = tpu.memref_slice %arg11[%dma_start3A_69, %dma_start3A_70] : memref<128x128xf32, #tpu.memory_space<vmem>> -> memref<64x128xf32, #tpu.memory_space<vmem>>
        %dma_start3A_72 = arith.constant 0 : i32
        %dma_start3A_73 = tpu.memref_slice %arg8[%dma_start3A_68, %dma_start3A_72] : memref<40x64xi32, #tpu.memory_space<vmem>> -> memref<1x64xi32, #tpu.memory_space<vmem>>
        %dma_start3A_74 = tpu.memref_squeeze %dma_start3A_73 : memref<1x64xi32, #tpu.memory_space<vmem>> -> memref<64xi32, #tpu.memory_space<vmem>>
        %dma_start3A_75 = arith.constant 0 : i32
        %dma_start3A_76 = arith.constant 0 : i32
        %dma_start3A_77 = tpu.memref_slice %arg2[%dma_start3A_75, %dma_start3A_76] : memref<10240x128xf32, #tpu.memory_space<hbm>> -> memref<10240x128xf32, #tpu.memory_space<hbm>>
        tpu.enqueue_indirect_dma source(%dma_start3A_77 : memref<10240x128xf32, #tpu.memory_space<hbm>>) target(%dma_start3A_71 : memref<64x128xf32, #tpu.memory_space<vmem>>) offsets(%dma_start3A_74 : memref<64xi32, #tpu.memory_space<vmem>>) semaphore(%arg14 : memref<!tpu.dma_semaphore, #tpu.memory_space<semaphore_mem>>)
        %add3A_78 = arith.constant 1 : i32
        %add3A_79 = arith.addi %add3A_44, %add3A_78 : i32
        %mul3A_80 = arith.constant 64 : i32
        %mul3A_81 = arith.muli %add3A_79, %mul3A_80 : i32
        %dma_start3A_82 = arith.constant 64 : i32
        %dma_start3A_83 = arith.constant 0 : i32
        %dma_start3A_84 = tpu.memref_slice %arg11[%dma_start3A_82, %dma_start3A_83] : memref<128x128xf32, #tpu.memory_space<vmem>> -> memref<64x128xf32, #tpu.memory_space<vmem>>
        %dma_start3A_85 = arith.constant 0 : i32
        %dma_start3A_86 = tpu.memref_slice %arg3[%mul3A_81, %dma_start3A_85] : memref<327680x128xf32, #tpu.memory_space<hbm>> -> memref<64x128xf32, #tpu.memory_space<hbm>>
        %dma_start3A_87 = arith.constant 64 : i32
        %dma_start3A_88 = arith.constant 0 : i32
        %dma_start3A_89 = tpu.memref_slice %arg11[%dma_start3A_87, %dma_start3A_88] : memref<128x128xf32, #tpu.memory_space<vmem>> -> memref<64x128xf32, #tpu.memory_space<vmem>>
        %dma_start3A_90 = arith.constant 0 : i32
        %dma_start3A_91 = tpu.memref_slice %arg3[%mul3A_81, %dma_start3A_90] : memref<327680x128xf32, #tpu.memory_space<hbm>> -> memref<64x128xf32, #tpu.memory_space<hbm>>
        tpu.enqueue_dma source(%dma_start3A_91 : memref<64x128xf32, #tpu.memory_space<hbm>>) target(%dma_start3A_89 : memref<64x128xf32, #tpu.memory_space<vmem>>) target_semaphore(%arg14 : memref<!tpu.dma_semaphore, #tpu.memory_space<semaphore_mem>>)
        %scan3A_92 = arith.constant 0 : i32
        %scan3A_93 = arith.constant 0 : i32
        %scan3A_94 = arith.constant 20 : i32
        %scan3A_95 = arith.addi %scan3A_93, %scan3A_94 : i32
        %scan3A_96 = arith.constant 1 : i32
        scf.for %scan3A_98 = %scan3A_93 to %scan3A_95 step %scan3A_96  : i32 {
          %mul3A_99 = arith.constant 2 : i32
          %mul3A_100 = arith.muli %mul3A_99, %scan3A_98 : i32
          %mul3A_101 = arith.constant 2 : i32
          %mul3A_102 = arith.muli %mul3A_101, %scan3A_98 : i32
          %add3A_103 = arith.constant 1 : i32
          %add3A_104 = arith.addi %mul3A_102, %add3A_103 : i32
          %dma_wait3A = arith.constant 0 : i32
          %dma_wait3A_105 = arith.constant 0 : i32
          %dma_wait3A_106 = tpu.memref_slice %arg10[%dma_wait3A, %dma_wait3A_105] : memref<128x128xf32, #tpu.memory_space<vmem>> -> memref<64x128xf32, #tpu.memory_space<vmem>>
          %dma_wait3A_107 = arith.constant 0 : i32
          %dma_wait3A_108 = tpu.memref_slice %arg8[%mul3A_100, %dma_wait3A_107] : memref<40x64xi32, #tpu.memory_space<vmem>> -> memref<1x64xi32, #tpu.memory_space<vmem>>
          %dma_wait3A_109 = tpu.memref_squeeze %dma_wait3A_108 : memref<1x64xi32, #tpu.memory_space<vmem>> -> memref<64xi32, #tpu.memory_space<vmem>>
          %dma_wait3A_110 = arith.constant 0 : i32
          %dma_wait3A_111 = arith.constant 0 : i32
          %dma_wait3A_112 = tpu.memref_slice %arg2[%dma_wait3A_110, %dma_wait3A_111] : memref<10240x128xf32, #tpu.memory_space<hbm>> -> memref<10240x128xf32, #tpu.memory_space<hbm>>
          tpu.wait_indirect_dma semaphore(%arg13 : memref<!tpu.dma_semaphore, #tpu.memory_space<semaphore_mem>>) src(%dma_wait3A_112 : memref<10240x128xf32, #tpu.memory_space<hbm>>) dst(%dma_wait3A_106 : memref<64x128xf32, #tpu.memory_space<vmem>>)
          %dma_wait3A_113 = arith.constant 64 : i32
          %dma_wait3A_114 = arith.constant 0 : i32
          %dma_wait3A_115 = tpu.memref_slice %arg10[%dma_wait3A_113, %dma_wait3A_114] : memref<128x128xf32, #tpu.memory_space<vmem>> -> memref<64x128xf32, #tpu.memory_space<vmem>>
          %dma_wait3A_116 = arith.constant 0 : i32
          %dma_wait3A_117 = arith.constant 0 : i32
          %dma_wait3A_118 = tpu.memref_slice %arg3[%dma_wait3A_116, %dma_wait3A_117] : memref<327680x128xf32, #tpu.memory_space<hbm>> -> memref<64x128xf32, #tpu.memory_space<hbm>>
          %dma_wait3A_119 = arith.constant 64 : i32
          %dma_wait3A_120 = arith.constant 0 : i32
          %dma_wait3A_121 = tpu.memref_slice %arg10[%dma_wait3A_119, %dma_wait3A_120] : memref<128x128xf32, #tpu.memory_space<vmem>> -> memref<64x128xf32, #tpu.memory_space<vmem>>
          %dma_wait3A_122 = arith.constant 0 : i32
          %dma_wait3A_123 = arith.constant 0 : i32
          %dma_wait3A_124 = tpu.memref_slice %arg3[%dma_wait3A_122, %dma_wait3A_123] : memref<327680x128xf32, #tpu.memory_space<hbm>> -> memref<64x128xf32, #tpu.memory_space<hbm>>
          tpu.wait_dma2 semaphore(%arg13 : memref<!tpu.dma_semaphore, #tpu.memory_space<semaphore_mem>>) src(%dma_wait3A_124 : memref<64x128xf32, #tpu.memory_space<hbm>>) dst(%dma_wait3A_121 : memref<64x128xf32, #tpu.memory_space<vmem>>)
          %dma_start3A_125 = arith.constant 0 : i32
          %dma_start3A_126 = tpu.memref_slice %arg9[%mul3A_100, %dma_start3A_125] : memref<40x128xi32, #tpu.memory_space<vmem>> -> memref<1x128xi32, #tpu.memory_space<vmem>>
          %dma_start3A_127 = tpu.memref_squeeze %dma_start3A_126 : memref<1x128xi32, #tpu.memory_space<vmem>> -> memref<128xi32, #tpu.memory_space<vmem>>
          %dma_start3A_128 = arith.constant 0 : i32
          %dma_start3A_129 = arith.constant 0 : i32
          %dma_start3A_130 = tpu.memref_slice %arg12[%dma_start3A_128, %dma_start3A_129] : memref<10240x128xf32, #tpu.memory_space<vmem_shared>> -> memref<10240x128xf32, #tpu.memory_space<vmem_shared>>
          tpu.enqueue_indirect_dma source(%arg10 : memref<128x128xf32, #tpu.memory_space<vmem>>) target(%dma_start3A_130 : memref<10240x128xf32, #tpu.memory_space<vmem_shared>>) offsets(%dma_start3A_127 : memref<128xi32, #tpu.memory_space<vmem>>) semaphore(%arg15 : memref<!tpu.dma_semaphore, #tpu.memory_space<semaphore_mem>>) {add = true}
          %dma_wait3A_131 = arith.constant 0 : i32
          %dma_wait3A_132 = arith.constant 0 : i32
          %dma_wait3A_133 = tpu.memref_slice %arg11[%dma_wait3A_131, %dma_wait3A_132] : memref<128x128xf32, #tpu.memory_space<vmem>> -> memref<64x128xf32, #tpu.memory_space<vmem>>
          %dma_wait3A_134 = arith.constant 0 : i32
          %dma_wait3A_135 = tpu.memref_slice %arg8[%add3A_104, %dma_wait3A_134] : memref<40x64xi32, #tpu.memory_space<vmem>> -> memref<1x64xi32, #tpu.memory_space<vmem>>
          %dma_wait3A_136 = tpu.memref_squeeze %dma_wait3A_135 : memref<1x64xi32, #tpu.memory_space<vmem>> -> memref<64xi32, #tpu.memory_space<vmem>>
          %dma_wait3A_137 = arith.constant 0 : i32
          %dma_wait3A_138 = arith.constant 0 : i32
          %dma_wait3A_139 = tpu.memref_slice %arg2[%dma_wait3A_137, %dma_wait3A_138] : memref<10240x128xf32, #tpu.memory_space<hbm>> -> memref<10240x128xf32, #tpu.memory_space<hbm>>
          tpu.wait_indirect_dma semaphore(%arg14 : memref<!tpu.dma_semaphore, #tpu.memory_space<semaphore_mem>>) src(%dma_wait3A_139 : memref<10240x128xf32, #tpu.memory_space<hbm>>) dst(%dma_wait3A_133 : memref<64x128xf32, #tpu.memory_space<vmem>>)
          %dma_wait3A_140 = arith.constant 64 : i32
          %dma_wait3A_141 = arith.constant 0 : i32
          %dma_wait3A_142 = tpu.memref_slice %arg11[%dma_wait3A_140, %dma_wait3A_141] : memref<128x128xf32, #tpu.memory_space<vmem>> -> memref<64x128xf32, #tpu.memory_space<vmem>>
          %dma_wait3A_143 = arith.constant 0 : i32
          %dma_wait3A_144 = arith.constant 0 : i32
          %dma_wait3A_145 = tpu.memref_slice %arg3[%dma_wait3A_143, %dma_wait3A_144] : memref<327680x128xf32, #tpu.memory_space<hbm>> -> memref<64x128xf32, #tpu.memory_space<hbm>>
          %dma_wait3A_146 = arith.constant 64 : i32
          %dma_wait3A_147 = arith.constant 0 : i32
          %dma_wait3A_148 = tpu.memref_slice %arg11[%dma_wait3A_146, %dma_wait3A_147] : memref<128x128xf32, #tpu.memory_space<vmem>> -> memref<64x128xf32, #tpu.memory_space<vmem>>
          %dma_wait3A_149 = arith.constant 0 : i32
          %dma_wait3A_150 = arith.constant 0 : i32
          %dma_wait3A_151 = tpu.memref_slice %arg3[%dma_wait3A_149, %dma_wait3A_150] : memref<327680x128xf32, #tpu.memory_space<hbm>> -> memref<64x128xf32, #tpu.memory_space<hbm>>
          tpu.wait_dma2 semaphore(%arg14 : memref<!tpu.dma_semaphore, #tpu.memory_space<semaphore_mem>>) src(%dma_wait3A_151 : memref<64x128xf32, #tpu.memory_space<hbm>>) dst(%dma_wait3A_148 : memref<64x128xf32, #tpu.memory_space<vmem>>)
          %dma_start3A_152 = arith.constant 0 : i32
          %dma_start3A_153 = tpu.memref_slice %arg9[%add3A_104, %dma_start3A_152] : memref<40x128xi32, #tpu.memory_space<vmem>> -> memref<1x128xi32, #tpu.memory_space<vmem>>
          %dma_start3A_154 = tpu.memref_squeeze %dma_start3A_153 : memref<1x128xi32, #tpu.memory_space<vmem>> -> memref<128xi32, #tpu.memory_space<vmem>>
          %dma_start3A_155 = arith.constant 0 : i32
          %dma_start3A_156 = arith.constant 0 : i32
          %dma_start3A_157 = tpu.memref_slice %arg12[%dma_start3A_155, %dma_start3A_156] : memref<10240x128xf32, #tpu.memory_space<vmem_shared>> -> memref<10240x128xf32, #tpu.memory_space<vmem_shared>>
          tpu.enqueue_indirect_dma source(%arg11 : memref<128x128xf32, #tpu.memory_space<vmem>>) target(%dma_start3A_157 : memref<10240x128xf32, #tpu.memory_space<vmem_shared>>) offsets(%dma_start3A_154 : memref<128xi32, #tpu.memory_space<vmem>>) semaphore(%arg16 : memref<!tpu.dma_semaphore, #tpu.memory_space<semaphore_mem>>) {add = true}
          %lt3A_158 = arith.constant 19 : i32
          %lt3A_159 = arith.cmpi slt, %scan3A_98, %lt3A_158 : i32
          %convert_element_type3A_160 = arith.extui %lt3A_159 : i1 to i32
          %cond3A_161 = arith.constant 0 : i32
          %cond3A_162 = arith.cmpi ne, %convert_element_type3A_160, %cond3A_161 : i32
          scf.if %cond3A_162 {
            %dma_wait3A_168 = arith.constant 0 : i32
            %dma_wait3A_169 = tpu.memref_slice %arg9[%mul3A_100, %dma_wait3A_168] : memref<40x128xi32, #tpu.memory_space<vmem>> -> memref<1x128xi32, #tpu.memory_space<vmem>>
            %dma_wait3A_170 = tpu.memref_squeeze %dma_wait3A_169 : memref<1x128xi32, #tpu.memory_space<vmem>> -> memref<128xi32, #tpu.memory_space<vmem>>
            %dma_wait3A_171 = arith.constant 0 : i32
            %dma_wait3A_172 = arith.constant 0 : i32
            %dma_wait3A_173 = tpu.memref_slice %arg12[%dma_wait3A_171, %dma_wait3A_172] : memref<10240x128xf32, #tpu.memory_space<vmem_shared>> -> memref<10240x128xf32, #tpu.memory_space<vmem_shared>>
            tpu.wait_indirect_dma semaphore(%arg15 : memref<!tpu.dma_semaphore, #tpu.memory_space<semaphore_mem>>) src(%arg10 : memref<128x128xf32, #tpu.memory_space<vmem>>) dst(%dma_wait3A_173 : memref<10240x128xf32, #tpu.memory_space<vmem_shared>>)
            %add3A_174 = arith.constant 2 : i32
            %add3A_175 = arith.addi %mul3A_100, %add3A_174 : i32
            %dma_start3A_176 = arith.constant 0 : i32
            %dma_start3A_177 = arith.constant 0 : i32
            %dma_start3A_178 = tpu.memref_slice %arg10[%dma_start3A_176, %dma_start3A_177] : memref<128x128xf32, #tpu.memory_space<vmem>> -> memref<64x128xf32, #tpu.memory_space<vmem>>
            %dma_start3A_179 = arith.constant 0 : i32
            %dma_start3A_180 = tpu.memref_slice %arg8[%add3A_175, %dma_start3A_179] : memref<40x64xi32, #tpu.memory_space<vmem>> -> memref<1x64xi32, #tpu.memory_space<vmem>>
            %dma_start3A_181 = tpu.memref_squeeze %dma_start3A_180 : memref<1x64xi32, #tpu.memory_space<vmem>> -> memref<64xi32, #tpu.memory_space<vmem>>
            %dma_start3A_182 = arith.constant 0 : i32
            %dma_start3A_183 = arith.constant 0 : i32
            %dma_start3A_184 = tpu.memref_slice %arg2[%dma_start3A_182, %dma_start3A_183] : memref<10240x128xf32, #tpu.memory_space<hbm>> -> memref<10240x128xf32, #tpu.memory_space<hbm>>
            tpu.enqueue_indirect_dma source(%dma_start3A_184 : memref<10240x128xf32, #tpu.memory_space<hbm>>) target(%dma_start3A_178 : memref<64x128xf32, #tpu.memory_space<vmem>>) offsets(%dma_start3A_181 : memref<64xi32, #tpu.memory_space<vmem>>) semaphore(%arg13 : memref<!tpu.dma_semaphore, #tpu.memory_space<semaphore_mem>>)
            %add3A_185 = arith.addi %add3A_44, %add3A_175 : i32
            %mul3A_186 = arith.constant 64 : i32
            %mul3A_187 = arith.muli %add3A_185, %mul3A_186 : i32
            %dma_start3A_188 = arith.constant 64 : i32
            %dma_start3A_189 = arith.constant 0 : i32
            %dma_start3A_190 = tpu.memref_slice %arg10[%dma_start3A_188, %dma_start3A_189] : memref<128x128xf32, #tpu.memory_space<vmem>> -> memref<64x128xf32, #tpu.memory_space<vmem>>
            %dma_start3A_191 = arith.constant 0 : i32
            %dma_start3A_192 = tpu.memref_slice %arg3[%mul3A_187, %dma_start3A_191] : memref<327680x128xf32, #tpu.memory_space<hbm>> -> memref<64x128xf32, #tpu.memory_space<hbm>>
            %dma_start3A_193 = arith.constant 64 : i32
            %dma_start3A_194 = arith.constant 0 : i32
            %dma_start3A_195 = tpu.memref_slice %arg10[%dma_start3A_193, %dma_start3A_194] : memref<128x128xf32, #tpu.memory_space<vmem>> -> memref<64x128xf32, #tpu.memory_space<vmem>>
            %dma_start3A_196 = arith.constant 0 : i32
            %dma_start3A_197 = tpu.memref_slice %arg3[%mul3A_187, %dma_start3A_196] : memref<327680x128xf32, #tpu.memory_space<hbm>> -> memref<64x128xf32, #tpu.memory_space<hbm>>
            tpu.enqueue_dma source(%dma_start3A_197 : memref<64x128xf32, #tpu.memory_space<hbm>>) target(%dma_start3A_195 : memref<64x128xf32, #tpu.memory_space<vmem>>) target_semaphore(%arg13 : memref<!tpu.dma_semaphore, #tpu.memory_space<semaphore_mem>>)
            %dma_wait3A_198 = arith.constant 0 : i32
            %dma_wait3A_199 = tpu.memref_slice %arg9[%add3A_104, %dma_wait3A_198] : memref<40x128xi32, #tpu.memory_space<vmem>> -> memref<1x128xi32, #tpu.memory_space<vmem>>
            %dma_wait3A_200 = tpu.memref_squeeze %dma_wait3A_199 : memref<1x128xi32, #tpu.memory_space<vmem>> -> memref<128xi32, #tpu.memory_space<vmem>>
            %dma_wait3A_201 = arith.constant 0 : i32
            %dma_wait3A_202 = arith.constant 0 : i32
            %dma_wait3A_203 = tpu.memref_slice %arg12[%dma_wait3A_201, %dma_wait3A_202] : memref<10240x128xf32, #tpu.memory_space<vmem_shared>> -> memref<10240x128xf32, #tpu.memory_space<vmem_shared>>
            tpu.wait_indirect_dma semaphore(%arg16 : memref<!tpu.dma_semaphore, #tpu.memory_space<semaphore_mem>>) src(%arg11 : memref<128x128xf32, #tpu.memory_space<vmem>>) dst(%dma_wait3A_203 : memref<10240x128xf32, #tpu.memory_space<vmem_shared>>)
            %add3A_204 = arith.constant 2 : i32
            %add3A_205 = arith.addi %add3A_104, %add3A_204 : i32
            %dma_start3A_206 = arith.constant 0 : i32
            %dma_start3A_207 = arith.constant 0 : i32
            %dma_start3A_208 = tpu.memref_slice %arg11[%dma_start3A_206, %dma_start3A_207] : memref<128x128xf32, #tpu.memory_space<vmem>> -> memref<64x128xf32, #tpu.memory_space<vmem>>
            %dma_start3A_209 = arith.constant 0 : i32
            %dma_start3A_210 = tpu.memref_slice %arg8[%add3A_205, %dma_start3A_209] : memref<40x64xi32, #tpu.memory_space<vmem>> -> memref<1x64xi32, #tpu.memory_space<vmem>>
            %dma_start3A_211 = tpu.memref_squeeze %dma_start3A_210 : memref<1x64xi32, #tpu.memory_space<vmem>> -> memref<64xi32, #tpu.memory_space<vmem>>
            %dma_start3A_212 = arith.constant 0 : i32
            %dma_start3A_213 = arith.constant 0 : i32
            %dma_start3A_214 = tpu.memref_slice %arg2[%dma_start3A_212, %dma_start3A_213] : memref<10240x128xf32, #tpu.memory_space<hbm>> -> memref<10240x128xf32, #tpu.memory_space<hbm>>
            tpu.enqueue_indirect_dma source(%dma_start3A_214 : memref<10240x128xf32, #tpu.memory_space<hbm>>) target(%dma_start3A_208 : memref<64x128xf32, #tpu.memory_space<vmem>>) offsets(%dma_start3A_211 : memref<64xi32, #tpu.memory_space<vmem>>) semaphore(%arg14 : memref<!tpu.dma_semaphore, #tpu.memory_space<semaphore_mem>>)
            %add3A_215 = arith.addi %add3A_44, %add3A_205 : i32
            %mul3A_216 = arith.constant 64 : i32
            %mul3A_217 = arith.muli %add3A_215, %mul3A_216 : i32
            %dma_start3A_218 = arith.constant 64 : i32
            %dma_start3A_219 = arith.constant 0 : i32
            %dma_start3A_220 = tpu.memref_slice %arg11[%dma_start3A_218, %dma_start3A_219] : memref<128x128xf32, #tpu.memory_space<vmem>> -> memref<64x128xf32, #tpu.memory_space<vmem>>
            %dma_start3A_221 = arith.constant 0 : i32
            %dma_start3A_222 = tpu.memref_slice %arg3[%mul3A_217, %dma_start3A_221] : memref<327680x128xf32, #tpu.memory_space<hbm>> -> memref<64x128xf32, #tpu.memory_space<hbm>>
            %dma_start3A_223 = arith.constant 64 : i32
            %dma_start3A_224 = arith.constant 0 : i32
            %dma_start3A_225 = tpu.memref_slice %arg11[%dma_start3A_223, %dma_start3A_224] : memref<128x128xf32, #tpu.memory_space<vmem>> -> memref<64x128xf32, #tpu.memory_space<vmem>>
            %dma_start3A_226 = arith.constant 0 : i32
            %dma_start3A_227 = tpu.memref_slice %arg3[%mul3A_217, %dma_start3A_226] : memref<327680x128xf32, #tpu.memory_space<hbm>> -> memref<64x128xf32, #tpu.memory_space<hbm>>
            tpu.enqueue_dma source(%dma_start3A_227 : memref<64x128xf32, #tpu.memory_space<hbm>>) target(%dma_start3A_225 : memref<64x128xf32, #tpu.memory_space<vmem>>) target_semaphore(%arg14 : memref<!tpu.dma_semaphore, #tpu.memory_space<semaphore_mem>>)
          } else {
          }
          %eq3A_163 = arith.constant 19 : i32
          %eq3A_164 = arith.cmpi eq, %scan3A_98, %eq3A_163 : i32
          %convert_element_type3A_165 = arith.extui %eq3A_164 : i1 to i32
          %cond3A_166 = arith.constant 0 : i32
          %cond3A_167 = arith.cmpi ne, %convert_element_type3A_165, %cond3A_166 : i32
          scf.if %cond3A_167 {
            %dma_wait3A_168 = arith.constant 0 : i32
            %dma_wait3A_169 = tpu.memref_slice %arg9[%mul3A_100, %dma_wait3A_168] : memref<40x128xi32, #tpu.memory_space<vmem>> -> memref<1x128xi32, #tpu.memory_space<vmem>>
            %dma_wait3A_170 = tpu.memref_squeeze %dma_wait3A_169 : memref<1x128xi32, #tpu.memory_space<vmem>> -> memref<128xi32, #tpu.memory_space<vmem>>
            %dma_wait3A_171 = arith.constant 0 : i32
            %dma_wait3A_172 = arith.constant 0 : i32
            %dma_wait3A_173 = tpu.memref_slice %arg12[%dma_wait3A_171, %dma_wait3A_172] : memref<10240x128xf32, #tpu.memory_space<vmem_shared>> -> memref<10240x128xf32, #tpu.memory_space<vmem_shared>>
            tpu.wait_indirect_dma semaphore(%arg15 : memref<!tpu.dma_semaphore, #tpu.memory_space<semaphore_mem>>) src(%arg10 : memref<128x128xf32, #tpu.memory_space<vmem>>) dst(%dma_wait3A_173 : memref<10240x128xf32, #tpu.memory_space<vmem_shared>>)
            %dma_wait3A_174 = arith.constant 0 : i32
            %dma_wait3A_175 = tpu.memref_slice %arg9[%add3A_104, %dma_wait3A_174] : memref<40x128xi32, #tpu.memory_space<vmem>> -> memref<1x128xi32, #tpu.memory_space<vmem>>
            %dma_wait3A_176 = tpu.memref_squeeze %dma_wait3A_175 : memref<1x128xi32, #tpu.memory_space<vmem>> -> memref<128xi32, #tpu.memory_space<vmem>>
            %dma_wait3A_177 = arith.constant 0 : i32
            %dma_wait3A_178 = arith.constant 0 : i32
            %dma_wait3A_179 = tpu.memref_slice %arg12[%dma_wait3A_177, %dma_wait3A_178] : memref<10240x128xf32, #tpu.memory_space<vmem_shared>> -> memref<10240x128xf32, #tpu.memory_space<vmem_shared>>
            tpu.wait_indirect_dma semaphore(%arg16 : memref<!tpu.dma_semaphore, #tpu.memory_space<semaphore_mem>>) src(%arg11 : memref<128x128xf32, #tpu.memory_space<vmem>>) dst(%dma_wait3A_179 : memref<10240x128xf32, #tpu.memory_space<vmem_shared>>)
          } else {
          }
        }
        %scan3A_97 = arith.constant 20 : i32
      } else {
      }
    }
    %scan3A_28 = arith.constant 6 : i32
    %barrier3A_29 = arith.constant 0 : index
    tpu.barrier barrier_id(%barrier3A_29)
    %add3A_30 = arith.constant 0 : i32
    %add3A_31 = arith.addi %mul3A_2, %add3A_30 : i32
    "tpu.region"() ({
      %run_scoped3A = tpu.sem_alloc : memref<!tpu.dma_semaphore, #tpu.memory_space<semaphore_mem>>
      %dma_start3A = arith.constant 0 : i32
      %dma_start3A_40 = tpu.memref_slice %arg12[%add3A_31, %dma_start3A] : memref<10240x128xf32, #tpu.memory_space<vmem_shared>> -> memref<128x128xf32, #tpu.memory_space<vmem_shared>>
      %dma_start3A_41 = arith.constant 0 : i32
      %dma_start3A_42 = tpu.memref_slice %arg12[%add3A_31, %dma_start3A_41] : memref<10240x128xf32, #tpu.memory_space<vmem_shared>> -> memref<128x128xf32, #tpu.memory_space<vmem_shared>>
      tpu.enqueue_dma source(%dma_start3A_42 : memref<128x128xf32, #tpu.memory_space<vmem_shared>>) target(%arg10 : memref<128x128xf32, #tpu.memory_space<vmem>>) target_semaphore(%run_scoped3A : memref<!tpu.dma_semaphore, #tpu.memory_space<semaphore_mem>>)
      %dma_wait3A = arith.constant 0 : i32
      %dma_wait3A_43 = tpu.memref_slice %arg12[%add3A_31, %dma_wait3A] : memref<10240x128xf32, #tpu.memory_space<vmem_shared>> -> memref<128x128xf32, #tpu.memory_space<vmem_shared>>
      %dma_wait3A_44 = arith.constant 0 : i32
      %dma_wait3A_45 = tpu.memref_slice %arg12[%add3A_31, %dma_wait3A_44] : memref<10240x128xf32, #tpu.memory_space<vmem_shared>> -> memref<128x128xf32, #tpu.memory_space<vmem_shared>>
      tpu.wait_dma2 semaphore(%run_scoped3A : memref<!tpu.dma_semaphore, #tpu.memory_space<semaphore_mem>>) src(%dma_wait3A_45 : memref<128x128xf32, #tpu.memory_space<vmem_shared>>) dst(%arg10 : memref<128x128xf32, #tpu.memory_space<vmem>>)
      tpu.yield
    }) : () -> ()
    "tpu.region"() ({
      %run_scoped3A = tpu.sem_alloc : memref<!tpu.dma_semaphore, #tpu.memory_space<semaphore_mem>>
      %dma_start3A = arith.constant 0 : i32
      %dma_start3A_40 = tpu.memref_slice %arg7[%arg0, %add3A_31, %dma_start3A] : memref<2x10240x128xf32, #tpu.memory_space<hbm>> -> memref<1x128x128xf32, #tpu.memory_space<hbm>>
      %dma_start3A_41 = tpu.memref_squeeze %dma_start3A_40 : memref<1x128x128xf32, #tpu.memory_space<hbm>> -> memref<128x128xf32, #tpu.memory_space<hbm>>
      %dma_start3A_42 = arith.constant 0 : i32
      %dma_start3A_43 = tpu.memref_slice %arg7[%arg0, %add3A_31, %dma_start3A_42] : memref<2x10240x128xf32, #tpu.memory_space<hbm>> -> memref<1x128x128xf32, #tpu.memory_space<hbm>>
      %dma_start3A_44 = tpu.memref_squeeze %dma_start3A_43 : memref<1x128x128xf32, #tpu.memory_space<hbm>> -> memref<128x128xf32, #tpu.memory_space<hbm>>
      tpu.enqueue_dma source(%arg10 : memref<128x128xf32, #tpu.memory_space<vmem>>) target(%dma_start3A_44 : memref<128x128xf32, #tpu.memory_space<hbm>>) target_semaphore(%run_scoped3A : memref<!tpu.dma_semaphore, #tpu.memory_space<semaphore_mem>>)
      %dma_wait3A = arith.constant 0 : i32
      %dma_wait3A_45 = tpu.memref_slice %arg7[%arg0, %add3A_31, %dma_wait3A] : memref<2x10240x128xf32, #tpu.memory_space<hbm>> -> memref<1x128x128xf32, #tpu.memory_space<hbm>>
      %dma_wait3A_46 = tpu.memref_squeeze %dma_wait3A_45 : memref<1x128x128xf32, #tpu.memory_space<hbm>> -> memref<128x128xf32, #tpu.memory_space<hbm>>
      %dma_wait3A_47 = arith.constant 0 : i32
      %dma_wait3A_48 = tpu.memref_slice %arg7[%arg0, %add3A_31, %dma_wait3A_47] : memref<2x10240x128xf32, #tpu.memory_space<hbm>> -> memref<1x128x128xf32, #tpu.memory_space<hbm>>
      %dma_wait3A_49 = tpu.memref_squeeze %dma_wait3A_48 : memref<1x128x128xf32, #tpu.memory_space<hbm>> -> memref<128x128xf32, #tpu.memory_space<hbm>>
      tpu.wait_dma2 semaphore(%run_scoped3A : memref<!tpu.dma_semaphore, #tpu.memory_space<semaphore_mem>>) src(%arg10 : memref<128x128xf32, #tpu.memory_space<vmem>>) dst(%dma_wait3A_49 : memref<128x128xf32, #tpu.memory_space<hbm>>)
      tpu.yield
    }) : () -> ()
    %add3A_32 = arith.constant 128 : i32
    %add3A_33 = arith.addi %mul3A_2, %add3A_32 : i32
    "tpu.region"() ({
      %run_scoped3A = tpu.sem_alloc : memref<!tpu.dma_semaphore, #tpu.memory_space<semaphore_mem>>
      %dma_start3A = arith.constant 0 : i32
      %dma_start3A_40 = tpu.memref_slice %arg12[%add3A_33, %dma_start3A] : memref<10240x128xf32, #tpu.memory_space<vmem_shared>> -> memref<128x128xf32, #tpu.memory_space<vmem_shared>>
      %dma_start3A_41 = arith.constant 0 : i32
      %dma_start3A_42 = tpu.memref_slice %arg12[%add3A_33, %dma_start3A_41] : memref<10240x128xf32, #tpu.memory_space<vmem_shared>> -> memref<128x128xf32, #tpu.memory_space<vmem_shared>>
      tpu.enqueue_dma source(%dma_start3A_42 : memref<128x128xf32, #tpu.memory_space<vmem_shared>>) target(%arg10 : memref<128x128xf32, #tpu.memory_space<vmem>>) target_semaphore(%run_scoped3A : memref<!tpu.dma_semaphore, #tpu.memory_space<semaphore_mem>>)
      %dma_wait3A = arith.constant 0 : i32
      %dma_wait3A_43 = tpu.memref_slice %arg12[%add3A_33, %dma_wait3A] : memref<10240x128xf32, #tpu.memory_space<vmem_shared>> -> memref<128x128xf32, #tpu.memory_space<vmem_shared>>
      %dma_wait3A_44 = arith.constant 0 : i32
      %dma_wait3A_45 = tpu.memref_slice %arg12[%add3A_33, %dma_wait3A_44] : memref<10240x128xf32, #tpu.memory_space<vmem_shared>> -> memref<128x128xf32, #tpu.memory_space<vmem_shared>>
      tpu.wait_dma2 semaphore(%run_scoped3A : memref<!tpu.dma_semaphore, #tpu.memory_space<semaphore_mem>>) src(%dma_wait3A_45 : memref<128x128xf32, #tpu.memory_space<vmem_shared>>) dst(%arg10 : memref<128x128xf32, #tpu.memory_space<vmem>>)
      tpu.yield
    }) : () -> ()
    "tpu.region"() ({
      %run_scoped3A = tpu.sem_alloc : memref<!tpu.dma_semaphore, #tpu.memory_space<semaphore_mem>>
      %dma_start3A = arith.constant 0 : i32
      %dma_start3A_40 = tpu.memref_slice %arg7[%arg0, %add3A_33, %dma_start3A] : memref<2x10240x128xf32, #tpu.memory_space<hbm>> -> memref<1x128x128xf32, #tpu.memory_space<hbm>>
      %dma_start3A_41 = tpu.memref_squeeze %dma_start3A_40 : memref<1x128x128xf32, #tpu.memory_space<hbm>> -> memref<128x128xf32, #tpu.memory_space<hbm>>
      %dma_start3A_42 = arith.constant 0 : i32
      %dma_start3A_43 = tpu.memref_slice %arg7[%arg0, %add3A_33, %dma_start3A_42] : memref<2x10240x128xf32, #tpu.memory_space<hbm>> -> memref<1x128x128xf32, #tpu.memory_space<hbm>>
      %dma_start3A_44 = tpu.memref_squeeze %dma_start3A_43 : memref<1x128x128xf32, #tpu.memory_space<hbm>> -> memref<128x128xf32, #tpu.memory_space<hbm>>
      tpu.enqueue_dma source(%arg10 : memref<128x128xf32, #tpu.memory_space<vmem>>) target(%dma_start3A_44 : memref<128x128xf32, #tpu.memory_space<hbm>>) target_semaphore(%run_scoped3A : memref<!tpu.dma_semaphore, #tpu.memory_space<semaphore_mem>>)
      %dma_wait3A = arith.constant 0 : i32
      %dma_wait3A_45 = tpu.memref_slice %arg7[%arg0, %add3A_33, %dma_wait3A] : memref<2x10240x128xf32, #tpu.memory_space<hbm>> -> memref<1x128x128xf32, #tpu.memory_space<hbm>>
      %dma_wait3A_46 = tpu.memref_squeeze %dma_wait3A_45 : memref<1x128x128xf32, #tpu.memory_space<hbm>> -> memref<128x128xf32, #tpu.memory_space<hbm>>
      %dma_wait3A_47 = arith.constant 0 : i32
      %dma_wait3A_48 = tpu.memref_slice %arg7[%arg0, %add3A_33, %dma_wait3A_47] : memref<2x10240x128xf32, #tpu.memory_space<hbm>> -> memref<1x128x128xf32, #tpu.memory_space<hbm>>
      %dma_wait3A_49 = tpu.memref_squeeze %dma_wait3A_48 : memref<1x128x128xf32, #tpu.memory_space<hbm>> -> memref<128x128xf32, #tpu.memory_space<hbm>>
      tpu.wait_dma2 semaphore(%run_scoped3A : memref<!tpu.dma_semaphore, #tpu.memory_space<semaphore_mem>>) src(%arg10 : memref<128x128xf32, #tpu.memory_space<vmem>>) dst(%dma_wait3A_49 : memref<128x128xf32, #tpu.memory_space<hbm>>)
      tpu.yield
    }) : () -> ()
    %add3A_34 = arith.constant 256 : i32
    %add3A_35 = arith.addi %mul3A_2, %add3A_34 : i32
    "tpu.region"() ({
      %run_scoped3A = tpu.sem_alloc : memref<!tpu.dma_semaphore, #tpu.memory_space<semaphore_mem>>
      %dma_start3A = arith.constant 0 : i32
      %dma_start3A_40 = tpu.memref_slice %arg12[%add3A_35, %dma_start3A] : memref<10240x128xf32, #tpu.memory_space<vmem_shared>> -> memref<128x128xf32, #tpu.memory_space<vmem_shared>>
      %dma_start3A_41 = arith.constant 0 : i32
      %dma_start3A_42 = tpu.memref_slice %arg12[%add3A_35, %dma_start3A_41] : memref<10240x128xf32, #tpu.memory_space<vmem_shared>> -> memref<128x128xf32, #tpu.memory_space<vmem_shared>>
      tpu.enqueue_dma source(%dma_start3A_42 : memref<128x128xf32, #tpu.memory_space<vmem_shared>>) target(%arg10 : memref<128x128xf32, #tpu.memory_space<vmem>>) target_semaphore(%run_scoped3A : memref<!tpu.dma_semaphore, #tpu.memory_space<semaphore_mem>>)
      %dma_wait3A = arith.constant 0 : i32
      %dma_wait3A_43 = tpu.memref_slice %arg12[%add3A_35, %dma_wait3A] : memref<10240x128xf32, #tpu.memory_space<vmem_shared>> -> memref<128x128xf32, #tpu.memory_space<vmem_shared>>
      %dma_wait3A_44 = arith.constant 0 : i32
      %dma_wait3A_45 = tpu.memref_slice %arg12[%add3A_35, %dma_wait3A_44] : memref<10240x128xf32, #tpu.memory_space<vmem_shared>> -> memref<128x128xf32, #tpu.memory_space<vmem_shared>>
      tpu.wait_dma2 semaphore(%run_scoped3A : memref<!tpu.dma_semaphore, #tpu.memory_space<semaphore_mem>>) src(%dma_wait3A_45 : memref<128x128xf32, #tpu.memory_space<vmem_shared>>) dst(%arg10 : memref<128x128xf32, #tpu.memory_space<vmem>>)
      tpu.yield
    }) : () -> ()
    "tpu.region"() ({
      %run_scoped3A = tpu.sem_alloc : memref<!tpu.dma_semaphore, #tpu.memory_space<semaphore_mem>>
      %dma_start3A = arith.constant 0 : i32
      %dma_start3A_40 = tpu.memref_slice %arg7[%arg0, %add3A_35, %dma_start3A] : memref<2x10240x128xf32, #tpu.memory_space<hbm>> -> memref<1x128x128xf32, #tpu.memory_space<hbm>>
      %dma_start3A_41 = tpu.memref_squeeze %dma_start3A_40 : memref<1x128x128xf32, #tpu.memory_space<hbm>> -> memref<128x128xf32, #tpu.memory_space<hbm>>
      %dma_start3A_42 = arith.constant 0 : i32
      %dma_start3A_43 = tpu.memref_slice %arg7[%arg0, %add3A_35, %dma_start3A_42] : memref<2x10240x128xf32, #tpu.memory_space<hbm>> -> memref<1x128x128xf32, #tpu.memory_space<hbm>>
      %dma_start3A_44 = tpu.memref_squeeze %dma_start3A_43 : memref<1x128x128xf32, #tpu.memory_space<hbm>> -> memref<128x128xf32, #tpu.memory_space<hbm>>
      tpu.enqueue_dma source(%arg10 : memref<128x128xf32, #tpu.memory_space<vmem>>) target(%dma_start3A_44 : memref<128x128xf32, #tpu.memory_space<hbm>>) target_semaphore(%run_scoped3A : memref<!tpu.dma_semaphore, #tpu.memory_space<semaphore_mem>>)
      %dma_wait3A = arith.constant 0 : i32
      %dma_wait3A_45 = tpu.memref_slice %arg7[%arg0, %add3A_35, %dma_wait3A] : memref<2x10240x128xf32, #tpu.memory_space<hbm>> -> memref<1x128x128xf32, #tpu.memory_space<hbm>>
      %dma_wait3A_46 = tpu.memref_squeeze %dma_wait3A_45 : memref<1x128x128xf32, #tpu.memory_space<hbm>> -> memref<128x128xf32, #tpu.memory_space<hbm>>
      %dma_wait3A_47 = arith.constant 0 : i32
      %dma_wait3A_48 = tpu.memref_slice %arg7[%arg0, %add3A_35, %dma_wait3A_47] : memref<2x10240x128xf32, #tpu.memory_space<hbm>> -> memref<1x128x128xf32, #tpu.memory_space<hbm>>
      %dma_wait3A_49 = tpu.memref_squeeze %dma_wait3A_48 : memref<1x128x128xf32, #tpu.memory_space<hbm>> -> memref<128x128xf32, #tpu.memory_space<hbm>>
      tpu.wait_dma2 semaphore(%run_scoped3A : memref<!tpu.dma_semaphore, #tpu.memory_space<semaphore_mem>>) src(%arg10 : memref<128x128xf32, #tpu.memory_space<vmem>>) dst(%dma_wait3A_49 : memref<128x128xf32, #tpu.memory_space<hbm>>)
      tpu.yield
    }) : () -> ()
    %add3A_36 = arith.constant 384 : i32
    %add3A_37 = arith.addi %mul3A_2, %add3A_36 : i32
    "tpu.region"() ({
      %run_scoped3A = tpu.sem_alloc : memref<!tpu.dma_semaphore, #tpu.memory_space<semaphore_mem>>
      %dma_start3A = arith.constant 0 : i32
      %dma_start3A_40 = tpu.memref_slice %arg12[%add3A_37, %dma_start3A] : memref<10240x128xf32, #tpu.memory_space<vmem_shared>> -> memref<128x128xf32, #tpu.memory_space<vmem_shared>>
      %dma_start3A_41 = arith.constant 0 : i32
      %dma_start3A_42 = tpu.memref_slice %arg12[%add3A_37, %dma_start3A_41] : memref<10240x128xf32, #tpu.memory_space<vmem_shared>> -> memref<128x128xf32, #tpu.memory_space<vmem_shared>>
      tpu.enqueue_dma source(%dma_start3A_42 : memref<128x128xf32, #tpu.memory_space<vmem_shared>>) target(%arg10 : memref<128x128xf32, #tpu.memory_space<vmem>>) target_semaphore(%run_scoped3A : memref<!tpu.dma_semaphore, #tpu.memory_space<semaphore_mem>>)
      %dma_wait3A = arith.constant 0 : i32
      %dma_wait3A_43 = tpu.memref_slice %arg12[%add3A_37, %dma_wait3A] : memref<10240x128xf32, #tpu.memory_space<vmem_shared>> -> memref<128x128xf32, #tpu.memory_space<vmem_shared>>
      %dma_wait3A_44 = arith.constant 0 : i32
      %dma_wait3A_45 = tpu.memref_slice %arg12[%add3A_37, %dma_wait3A_44] : memref<10240x128xf32, #tpu.memory_space<vmem_shared>> -> memref<128x128xf32, #tpu.memory_space<vmem_shared>>
      tpu.wait_dma2 semaphore(%run_scoped3A : memref<!tpu.dma_semaphore, #tpu.memory_space<semaphore_mem>>) src(%dma_wait3A_45 : memref<128x128xf32, #tpu.memory_space<vmem_shared>>) dst(%arg10 : memref<128x128xf32, #tpu.memory_space<vmem>>)
      tpu.yield
    }) : () -> ()
    "tpu.region"() ({
      %run_scoped3A = tpu.sem_alloc : memref<!tpu.dma_semaphore, #tpu.memory_space<semaphore_mem>>
      %dma_start3A = arith.constant 0 : i32
      %dma_start3A_40 = tpu.memref_slice %arg7[%arg0, %add3A_37, %dma_start3A] : memref<2x10240x128xf32, #tpu.memory_space<hbm>> -> memref<1x128x128xf32, #tpu.memory_space<hbm>>
      %dma_start3A_41 = tpu.memref_squeeze %dma_start3A_40 : memref<1x128x128xf32, #tpu.memory_space<hbm>> -> memref<128x128xf32, #tpu.memory_space<hbm>>
      %dma_start3A_42 = arith.constant 0 : i32
      %dma_start3A_43 = tpu.memref_slice %arg7[%arg0, %add3A_37, %dma_start3A_42] : memref<2x10240x128xf32, #tpu.memory_space<hbm>> -> memref<1x128x128xf32, #tpu.memory_space<hbm>>
      %dma_start3A_44 = tpu.memref_squeeze %dma_start3A_43 : memref<1x128x128xf32, #tpu.memory_space<hbm>> -> memref<128x128xf32, #tpu.memory_space<hbm>>
      tpu.enqueue_dma source(%arg10 : memref<128x128xf32, #tpu.memory_space<vmem>>) target(%dma_start3A_44 : memref<128x128xf32, #tpu.memory_space<hbm>>) target_semaphore(%run_scoped3A : memref<!tpu.dma_semaphore, #tpu.memory_space<semaphore_mem>>)
      %dma_wait3A = arith.constant 0 : i32
      %dma_wait3A_45 = tpu.memref_slice %arg7[%arg0, %add3A_37, %dma_wait3A] : memref<2x10240x128xf32, #tpu.memory_space<hbm>> -> memref<1x128x128xf32, #tpu.memory_space<hbm>>
      %dma_wait3A_46 = tpu.memref_squeeze %dma_wait3A_45 : memref<1x128x128xf32, #tpu.memory_space<hbm>> -> memref<128x128xf32, #tpu.memory_space<hbm>>
      %dma_wait3A_47 = arith.constant 0 : i32
      %dma_wait3A_48 = tpu.memref_slice %arg7[%arg0, %add3A_37, %dma_wait3A_47] : memref<2x10240x128xf32, #tpu.memory_space<hbm>> -> memref<1x128x128xf32, #tpu.memory_space<hbm>>
      %dma_wait3A_49 = tpu.memref_squeeze %dma_wait3A_48 : memref<1x128x128xf32, #tpu.memory_space<hbm>> -> memref<128x128xf32, #tpu.memory_space<hbm>>
      tpu.wait_dma2 semaphore(%run_scoped3A : memref<!tpu.dma_semaphore, #tpu.memory_space<semaphore_mem>>) src(%arg10 : memref<128x128xf32, #tpu.memory_space<vmem>>) dst(%dma_wait3A_49 : memref<128x128xf32, #tpu.memory_space<hbm>>)
      tpu.yield
    }) : () -> ()
    %add3A_38 = arith.constant 512 : i32
    %add3A_39 = arith.addi %mul3A_2, %add3A_38 : i32
    "tpu.region"() ({
      %run_scoped3A = tpu.sem_alloc : memref<!tpu.dma_semaphore, #tpu.memory_space<semaphore_mem>>
      %dma_start3A = arith.constant 0 : i32
      %dma_start3A_40 = tpu.memref_slice %arg12[%add3A_39, %dma_start3A] : memref<10240x128xf32, #tpu.memory_space<vmem_shared>> -> memref<128x128xf32, #tpu.memory_space<vmem_shared>>
      %dma_start3A_41 = arith.constant 0 : i32
      %dma_start3A_42 = tpu.memref_slice %arg12[%add3A_39, %dma_start3A_41] : memref<10240x128xf32, #tpu.memory_space<vmem_shared>> -> memref<128x128xf32, #tpu.memory_space<vmem_shared>>
      tpu.enqueue_dma source(%dma_start3A_42 : memref<128x128xf32, #tpu.memory_space<vmem_shared>>) target(%arg10 : memref<128x128xf32, #tpu.memory_space<vmem>>) target_semaphore(%run_scoped3A : memref<!tpu.dma_semaphore, #tpu.memory_space<semaphore_mem>>)
      %dma_wait3A = arith.constant 0 : i32
      %dma_wait3A_43 = tpu.memref_slice %arg12[%add3A_39, %dma_wait3A] : memref<10240x128xf32, #tpu.memory_space<vmem_shared>> -> memref<128x128xf32, #tpu.memory_space<vmem_shared>>
      %dma_wait3A_44 = arith.constant 0 : i32
      %dma_wait3A_45 = tpu.memref_slice %arg12[%add3A_39, %dma_wait3A_44] : memref<10240x128xf32, #tpu.memory_space<vmem_shared>> -> memref<128x128xf32, #tpu.memory_space<vmem_shared>>
      tpu.wait_dma2 semaphore(%run_scoped3A : memref<!tpu.dma_semaphore, #tpu.memory_space<semaphore_mem>>) src(%dma_wait3A_45 : memref<128x128xf32, #tpu.memory_space<vmem_shared>>) dst(%arg10 : memref<128x128xf32, #tpu.memory_space<vmem>>)
      tpu.yield
    }) : () -> ()
    "tpu.region"() ({
      %run_scoped3A = tpu.sem_alloc : memref<!tpu.dma_semaphore, #tpu.memory_space<semaphore_mem>>
      %dma_start3A = arith.constant 0 : i32
      %dma_start3A_40 = tpu.memref_slice %arg7[%arg0, %add3A_39, %dma_start3A] : memref<2x10240x128xf32, #tpu.memory_space<hbm>> -> memref<1x128x128xf32, #tpu.memory_space<hbm>>
      %dma_start3A_41 = tpu.memref_squeeze %dma_start3A_40 : memref<1x128x128xf32, #tpu.memory_space<hbm>> -> memref<128x128xf32, #tpu.memory_space<hbm>>
      %dma_start3A_42 = arith.constant 0 : i32
      %dma_start3A_43 = tpu.memref_slice %arg7[%arg0, %add3A_39, %dma_start3A_42] : memref<2x10240x128xf32, #tpu.memory_space<hbm>> -> memref<1x128x128xf32, #tpu.memory_space<hbm>>
      %dma_start3A_44 = tpu.memref_squeeze %dma_start3A_43 : memref<1x128x128xf32, #tpu.memory_space<hbm>> -> memref<128x128xf32, #tpu.memory_space<hbm>>
      tpu.enqueue_dma source(%arg10 : memref<128x128xf32, #tpu.memory_space<vmem>>) target(%dma_start3A_44 : memref<128x128xf32, #tpu.memory_space<hbm>>) target_semaphore(%run_scoped3A : memref<!tpu.dma_semaphore, #tpu.memory_space<semaphore_mem>>)
      %dma_wait3A = arith.constant 0 : i32
      %dma_wait3A_45 = tpu.memref_slice %arg7[%arg0, %add3A_39, %dma_wait3A] : memref<2x10240x128xf32, #tpu.memory_space<hbm>> -> memref<1x128x128xf32, #tpu.memory_space<hbm>>
      %dma_wait3A_46 = tpu.memref_squeeze %dma_wait3A_45 : memref<1x128x128xf32, #tpu.memory_space<hbm>> -> memref<128x128xf32, #tpu.memory_space<hbm>>
      %dma_wait3A_47 = arith.constant 0 : i32
      %dma_wait3A_48 = tpu.memref_slice %arg7[%arg0, %add3A_39, %dma_wait3A_47] : memref<2x10240x128xf32, #tpu.memory_space<hbm>> -> memref<1x128x128xf32, #tpu.memory_space<hbm>>
      %dma_wait3A_49 = tpu.memref_squeeze %dma_wait3A_48 : memref<1x128x128xf32, #tpu.memory_space<hbm>> -> memref<128x128xf32, #tpu.memory_space<hbm>>
      tpu.wait_dma2 semaphore(%run_scoped3A : memref<!tpu.dma_semaphore, #tpu.memory_space<semaphore_mem>>) src(%arg10 : memref<128x128xf32, #tpu.memory_space<vmem>>) dst(%dma_wait3A_49 : memref<128x128xf32, #tpu.memory_space<hbm>>)
      tpu.yield
    }) : () -> ()
    return
  }
}

module attributes {stable_mosaic.version = 14 : i64} {
  func.func @_ep_body(%arg0: i32, %arg1: memref<16384x16xf32, #tpu.memory_space<vmem>>, %arg2: memref<16x128xf32, #tpu.memory_space<vmem>>, %arg3: memref<16384x128xf32, #tpu.memory_space<vmem>>) attributes {dimension_semantics = [#tpu.dimension_semantics<arbitrary>], iteration_bounds = array<i64: 20>, scalar_prefetch = 0 : i64, scratch_operands = 0 : i64, tpu.core_type = #tpu.core_type<tc>, window_params = [{transform_indices = @transform_0, window_bounds = array<i64: 16384, 16>}, {pipeline_mode = #tpu.pipeline_mode<synchronous>, transform_indices = @transform_1, window_bounds = array<i64: 16, 128>}, {transform_indices = @transform_2, window_bounds = array<i64: 16384, 128>}]} {
    %get3A = arith.constant 0 : index
    %get3A_0 = arith.constant 0 : index
    %get3A_1 = vector.load %arg1[%get3A, %get3A_0] : memref<16384x16xf32, #tpu.memory_space<vmem>>, vector<16384x16xf32>
    %get3A_2 = arith.constant 0 : index
    %get3A_3 = arith.constant 0 : index
    %get3A_4 = vector.load %arg2[%get3A_2, %get3A_3] : memref<16x128xf32, #tpu.memory_space<vmem>>, vector<16x128xf32>
    %dot_general3A = arith.constant dense<0.000000e+00> : vector<16384x128xf32>
    %dot_general3A_5 = tpu.matmul %get3A_1, %get3A_4, %dot_general3A {dimension_numbers = #tpu.dot_dimension_numbers<[1], [0], [0], [1], [0, 0, 1, 1], [], []>, transpose_lhs_hint = false} : vector<16384x16xf32>, vector<16x128xf32>, vector<16384x128xf32> -> vector<16384x128xf32>
    %swap3A = arith.constant 0 : index
    %swap3A_6 = arith.constant 0 : index
    %swap3A_7 = vector.load %arg3[%swap3A, %swap3A_6] : memref<16384x128xf32, #tpu.memory_space<vmem>>, vector<16384x128xf32>
    tpu.vector_store %arg3[%swap3A, %swap3A_6], %dot_general3A_5 {strides = array<i32>} : memref<16384x128xf32, #tpu.memory_space<vmem>>, vector<16384x128xf32>,
    return
  }
  func.func @transform_0(%arg0: i32) -> (i32, i32) {
    %min3A = arith.constant 18 : i32
    %min3A_0 = arith.minsi %arg0, %min3A : i32
    %c0_i32 = arith.constant 0 : i32
    %c0_i32_1 = arith.constant 0 : i32
    return %min3A_0, %c0_i32 : i32, i32
  }
  func.func @transform_1(%arg0: i32) -> (i32, i32) {
    %c0_i32 = arith.constant 0 : i32
    %c0_i32_0 = arith.constant 0 : i32
    %c0_i32_1 = arith.constant 0 : i32
    return %c0_i32, %c0_i32_0 : i32, i32
  }
  func.func @transform_2(%arg0: i32) -> (i32, i32) {
    %c0_i32 = arith.constant 0 : i32
    %c0_i32_0 = arith.constant 0 : i32
    return %arg0, %c0_i32 : i32, i32
  }
}

module attributes {stable_mosaic.version = 14 : i64} {
  func.func @_mm_body(%arg0: i32, %arg1: memref<1024x128xf32, #tpu.memory_space<vmem>>, %arg2: memref<128x128xf32, #tpu.memory_space<vmem>>, %arg3: memref<1024x128xf32, #tpu.memory_space<vmem>>) attributes {dimension_semantics = [#tpu.dimension_semantics<arbitrary>], iteration_bounds = array<i64: 10>, scalar_prefetch = 0 : i64, scratch_operands = 0 : i64, tpu.core_type = #tpu.core_type<tc>, window_params = [{transform_indices = @transform_0, window_bounds = array<i64: 1024, 128>}, {pipeline_mode = #tpu.pipeline_mode<synchronous>, transform_indices = @transform_1, window_bounds = array<i64: 128, 128>}, {transform_indices = @transform_2, window_bounds = array<i64: 1024, 128>}]} {
    %get3A = arith.constant 0 : index
    %get3A_0 = arith.constant 0 : index
    %get3A_1 = vector.load %arg1[%get3A, %get3A_0] : memref<1024x128xf32, #tpu.memory_space<vmem>>, vector<1024x128xf32>
    %get3A_2 = arith.constant 0 : index
    %get3A_3 = arith.constant 0 : index
    %get3A_4 = vector.load %arg2[%get3A_2, %get3A_3] : memref<128x128xf32, #tpu.memory_space<vmem>>, vector<128x128xf32>
    %dot_general3A = arith.constant dense<0.000000e+00> : vector<1024x128xf32>
    %dot_general3A_5 = tpu.matmul %get3A_1, %get3A_4, %dot_general3A {dimension_numbers = #tpu.dot_dimension_numbers<[1], [0], [0], [1], [0, 0, 1, 1], [], []>, precision = #tpu.contract_precision<fp32>, transpose_lhs_hint = false} : vector<1024x128xf32>, vector<128x128xf32>, vector<1024x128xf32> -> vector<1024x128xf32>
    %swap3A = arith.constant 0 : index
    %swap3A_6 = arith.constant 0 : index
    %swap3A_7 = vector.load %arg3[%swap3A, %swap3A_6] : memref<1024x128xf32, #tpu.memory_space<vmem>>, vector<1024x128xf32>
    tpu.vector_store %arg3[%swap3A, %swap3A_6], %dot_general3A_5 {strides = array<i32>} : memref<1024x128xf32, #tpu.memory_space<vmem>>, vector<1024x128xf32>,
    return
  }
  func.func @transform_0(%arg0: i32) -> (i32, i32) {
    %c0_i32 = arith.constant 0 : i32
    %c0_i32_0 = arith.constant 0 : i32
    return %arg0, %c0_i32 : i32, i32
  }
  func.func @transform_1(%arg0: i32) -> (i32, i32) {
    %c0_i32 = arith.constant 0 : i32
    %c0_i32_0 = arith.constant 0 : i32
    %c0_i32_1 = arith.constant 0 : i32
    return %c0_i32, %c0_i32_0 : i32, i32
  }
  func.func @transform_2(%arg0: i32) -> (i32, i32) {
    %c0_i32 = arith.constant 0 : i32
    %c0_i32_0 = arith.constant 0 : i32
    return %arg0, %c0_i32 : i32, i32
  }
}

module attributes {stable_mosaic.version = 14 : i64} {
  func.func @_post_body(%arg0: i32, %arg1: memref<2x128x128xf32, #tpu.memory_space<vmem>>, %arg2: memref<1x128xf32, #tpu.memory_space<vmem>>, %arg3: memref<128x128xf32, #tpu.memory_space<vmem>>, %arg4: memref<1x128xf32, #tpu.memory_space<vmem>>, %arg5: memref<1x1x128xi32, #tpu.memory_space<vmem>>, %arg6: memref<64x128xf32, #tpu.memory_space<vmem>>, %arg7: memref<64x128xf32, #tpu.memory_space<vmem>>, %arg8: memref<64x1xf32, #tpu.memory_space<vmem>>) attributes {dimension_semantics = [#tpu.dimension_semantics<arbitrary>], iteration_bounds = array<i64: 80>, scalar_prefetch = 0 : i64, scratch_operands = 2 : i64, tpu.core_type = #tpu.core_type<tc>, window_params = [{transform_indices = @transform_0, window_bounds = array<i64: 2, 128, 128>}, {pipeline_mode = #tpu.pipeline_mode<synchronous>, transform_indices = @transform_1, window_bounds = array<i64: 1, 128>}, {pipeline_mode = #tpu.pipeline_mode<synchronous>, transform_indices = @transform_2, window_bounds = array<i64: 128, 128>}, {pipeline_mode = #tpu.pipeline_mode<synchronous>, transform_indices = @transform_3, window_bounds = array<i64: 1, 128>}, {transform_indices = @transform_4, window_bounds = array<i64: 1, 1, 128>}, {pipeline_mode = #tpu.pipeline_mode<synchronous>, transform_indices = @transform_5, window_bounds = array<i64: 64, 128>}]} {
    %eq3A = arith.constant 0 : i32
    %eq3A_0 = arith.cmpi eq, %arg0, %eq3A : i32
    %convert_element_type3A = arith.extui %eq3A_0 : i1 to i32
    %cond3A = arith.constant 0 : i32
    %cond3A_1 = arith.cmpi ne, %convert_element_type3A, %cond3A : i32
    scf.if %cond3A_1 {
      %broadcast_in_dim3A_60 = arith.constant 0.000000e+00 : f32
      %broadcast_in_dim3A_61 = vector.broadcast %broadcast_in_dim3A_60 : f32 to vector<64x128xf32>
      %swap3A_62 = arith.constant 0 : index
      %swap3A_63 = arith.constant 0 : index
      %swap3A_64 = vector.load %arg7[%swap3A_62, %swap3A_63] : memref<64x128xf32, #tpu.memory_space<vmem>>, vector<64x128xf32>
      tpu.vector_store %arg7[%swap3A_62, %swap3A_63], %broadcast_in_dim3A_61 {strides = array<i32>} : memref<64x128xf32, #tpu.memory_space<vmem>>, vector<64x128xf32>,
      %broadcast_in_dim3A_65 = arith.constant 0.000000e+00 : f32
      %broadcast_in_dim3A_66 = vector.broadcast %broadcast_in_dim3A_65 : f32 to vector<64x1xf32>
      %swap3A_67 = arith.constant 0 : index
      %swap3A_68 = arith.constant 0 : index
      %swap3A_69 = vector.load %arg8[%swap3A_67, %swap3A_68] : memref<64x1xf32, #tpu.memory_space<vmem>>, vector<64x1xf32>
      tpu.vector_store %arg8[%swap3A_67, %swap3A_68], %broadcast_in_dim3A_66 {strides = array<i32>} : memref<64x1xf32, #tpu.memory_space<vmem>>, vector<64x1xf32>,
    } else {
    }
    %get3A = arith.constant 0 : index
    %get3A_2 = arith.constant 0 : index
    %get3A_3 = arith.constant 0 : index
    %get3A_4 = vector.load %arg1[%get3A, %get3A_2, %get3A_3] : memref<2x128x128xf32, #tpu.memory_space<vmem>>, vector<1x128x128xf32>
    %get3A_5 = vector.shape_cast %get3A_4 : vector<1x128x128xf32> to vector<128x128xf32>
    %add3A = arith.constant 0.000000e+00 : f32
    %add3A_6 = vector.broadcast %add3A : f32 to vector<128x128xf32>
    %add3A_7 = arith.addf %add3A_6, %get3A_5 : vector<128x128xf32>
    %get3A_8 = arith.constant 1 : index
    %get3A_9 = arith.constant 0 : index
    %get3A_10 = arith.constant 0 : index
    %get3A_11 = vector.load %arg1[%get3A_8, %get3A_9, %get3A_10] : memref<2x128x128xf32, #tpu.memory_space<vmem>>, vector<1x128x128xf32>
    %get3A_12 = vector.shape_cast %get3A_11 : vector<1x128x128xf32> to vector<128x128xf32>
    %add3A_13 = arith.addf %add3A_7, %get3A_12 : vector<128x128xf32>
    %get3A_14 = arith.constant 0 : index
    %get3A_15 = arith.constant 0 : index
    %get3A_16 = vector.load %arg2[%get3A_14, %get3A_15] : memref<1x128xf32, #tpu.memory_space<vmem>>, vector<1x128xf32>
    %add3A_17 = vector.broadcast %get3A_16 : vector<1x128xf32> to vector<128x128xf32>
    %add3A_18 = arith.addf %add3A_13, %add3A_17 : vector<128x128xf32>
    %max3A = arith.constant 0.000000e+00 : f32
    %max3A_19 = vector.broadcast %max3A : f32 to vector<128x128xf32>
    %max3A_20 = arith.maximumf %add3A_18, %max3A_19 : vector<128x128xf32>
    %get3A_21 = arith.constant 0 : index
    %get3A_22 = arith.constant 0 : index
    %get3A_23 = vector.load %arg3[%get3A_21, %get3A_22] : memref<128x128xf32, #tpu.memory_space<vmem>>, vector<128x128xf32>
    %dot_general3A = arith.constant dense<0.000000e+00> : vector<128x128xf32>
    %dot_general3A_24 = tpu.matmul %max3A_20, %get3A_23, %dot_general3A {dimension_numbers = #tpu.dot_dimension_numbers<[1], [0], [0], [1], [0, 0, 1, 1], [], []>, precision = #tpu.contract_precision<fp32>, transpose_lhs_hint = false} : vector<128x128xf32>, vector<128x128xf32>, vector<128x128xf32> -> vector<128x128xf32>
    %get3A_25 = arith.constant 0 : index
    %get3A_26 = arith.constant 0 : index
    %get3A_27 = vector.load %arg4[%get3A_25, %get3A_26] : memref<1x128xf32, #tpu.memory_space<vmem>>, vector<1x128xf32>
    %add3A_28 = vector.broadcast %get3A_27 : vector<1x128xf32> to vector<128x128xf32>
    %add3A_29 = arith.addf %dot_general3A_24, %add3A_28 : vector<128x128xf32>
    %iota3A = tpu.iota {dimensions = array<i32: 0>} : vector<64x128xi32>
    %get3A_30 = arith.constant 0 : index
    %get3A_31 = arith.constant 0 : index
    %get3A_32 = arith.constant 0 : index
    %get3A_33 = vector.load %arg5[%get3A_30, %get3A_31, %get3A_32] : memref<1x1x128xi32, #tpu.memory_space<vmem>>, vector<1x1x128xi32>
    %get3A_34 = vector.shape_cast %get3A_33 : vector<1x1x128xi32> to vector<1x128xi32>
    %eq3A_35 = vector.broadcast %get3A_34 : vector<1x128xi32> to vector<64x128xi32>
    %eq3A_36 = arith.cmpi eq, %eq3A_35, %iota3A : vector<64x128xi32>
    %convert_element_type3A_37 = arith.extui %eq3A_36 : vector<64x128xi1> to vector<64x128xi32>
    %convert_element_type3A_38 = arith.sitofp %convert_element_type3A_37 : vector<64x128xi32> to vector<64x128xf32>
    %get3A_39 = arith.constant 0 : index
    %get3A_40 = arith.constant 0 : index
    %get3A_41 = vector.load %arg7[%get3A_39, %get3A_40] : memref<64x128xf32, #tpu.memory_space<vmem>>, vector<64x128xf32>
    %dot_general3A_42 = arith.constant dense<0.000000e+00> : vector<64x128xf32>
    %dot_general3A_43 = tpu.matmul %convert_element_type3A_38, %add3A_29, %dot_general3A_42 {dimension_numbers = #tpu.dot_dimension_numbers<[1], [0], [0], [1], [0, 0, 1, 1], [], []>, precision = #tpu.contract_precision<fp32>, transpose_lhs_hint = false} : vector<64x128xf32>, vector<128x128xf32>, vector<64x128xf32> -> vector<64x128xf32>
    %add3A_44 = arith.addf %get3A_41, %dot_general3A_43 : vector<64x128xf32>
    %swap3A = arith.constant 0 : index
    %swap3A_45 = arith.constant 0 : index
    %swap3A_46 = vector.load %arg7[%swap3A, %swap3A_45] : memref<64x128xf32, #tpu.memory_space<vmem>>, vector<64x128xf32>
    tpu.vector_store %arg7[%swap3A, %swap3A_45], %add3A_44 {strides = array<i32>} : memref<64x128xf32, #tpu.memory_space<vmem>>, vector<64x128xf32>,
    %get3A_47 = arith.constant 0 : index
    %get3A_48 = arith.constant 0 : index
    %get3A_49 = vector.load %arg8[%get3A_47, %get3A_48] : memref<64x1xf32, #tpu.memory_space<vmem>>, vector<64x1xf32>
    %reduce_sum3A = arith.constant dense<0.000000e+00> : vector<64xf32>
    %reduce_sum3A_50 = vector.multi_reduction <add>, %convert_element_type3A_38, %reduce_sum3A [1] : vector<64x128xf32> to vector<64xf32>
    %broadcast_in_dim3A = vector.shape_cast %reduce_sum3A_50 : vector<64xf32> to vector<64x1xf32>
    %add3A_51 = arith.addf %get3A_49, %broadcast_in_dim3A : vector<64x1xf32>
    %swap3A_52 = arith.constant 0 : index
    %swap3A_53 = arith.constant 0 : index
    %swap3A_54 = vector.load %arg8[%swap3A_52, %swap3A_53] : memref<64x1xf32, #tpu.memory_space<vmem>>, vector<64x1xf32>
    tpu.vector_store %arg8[%swap3A_52, %swap3A_53], %add3A_51 {strides = array<i32>} : memref<64x1xf32, #tpu.memory_space<vmem>>, vector<64x1xf32>,
    %eq3A_55 = arith.constant 79 : i32
    %eq3A_56 = arith.cmpi eq, %arg0, %eq3A_55 : i32
    %convert_element_type3A_57 = arith.extui %eq3A_56 : i1 to i32
    %cond3A_58 = arith.constant 0 : i32
    %cond3A_59 = arith.cmpi ne, %convert_element_type3A_57, %cond3A_58 : i32
    scf.if %cond3A_59 {
      %get3A_60 = arith.constant 0 : index
      %get3A_61 = arith.constant 0 : index
      %get3A_62 = vector.load %arg7[%get3A_60, %get3A_61] : memref<64x128xf32, #tpu.memory_space<vmem>>, vector<64x128xf32>
      %get3A_63 = arith.constant 0 : index
      %get3A_64 = arith.constant 0 : index
      %get3A_65 = vector.load %arg8[%get3A_63, %get3A_64] : memref<64x1xf32, #tpu.memory_space<vmem>>, vector<64x1xf32>
      %max3A_66 = arith.constant 1.000000e+00 : f32
      %max3A_67 = vector.broadcast %max3A_66 : f32 to vector<64x1xf32>
      %max3A_68 = arith.maximumf %get3A_65, %max3A_67 : vector<64x1xf32>
      %div3A = vector.broadcast %max3A_68 : vector<64x1xf32> to vector<64x128xf32>
      %div3A_69 = arith.divf %get3A_62, %div3A : vector<64x128xf32>
      %swap3A_70 = arith.constant 0 : index
      %swap3A_71 = arith.constant 0 : index
      %swap3A_72 = vector.load %arg6[%swap3A_70, %swap3A_71] : memref<64x128xf32, #tpu.memory_space<vmem>>, vector<64x128xf32>
      tpu.vector_store %arg6[%swap3A_70, %swap3A_71], %div3A_69 {strides = array<i32>} : memref<64x128xf32, #tpu.memory_space<vmem>>, vector<64x128xf32>,
    } else {
    }
    return
  }
  func.func @transform_0(%arg0: i32) -> (i32, i32, i32) {
    %c0_i32 = arith.constant 0 : i32
    %c0_i32_0 = arith.constant 0 : i32
    %c0_i32_1 = arith.constant 0 : i32
    return %c0_i32, %arg0, %c0_i32_0 : i32, i32, i32
  }
  func.func @transform_1(%arg0: i32) -> (i32, i32) {
    %c0_i32 = arith.constant 0 : i32
    %c0_i32_0 = arith.constant 0 : i32
    %c0_i32_1 = arith.constant 0 : i32
    return %c0_i32, %c0_i32_0 : i32, i32
  }
  func.func @transform_2(%arg0: i32) -> (i32, i32) {
    %c0_i32 = arith.constant 0 : i32
    %c0_i32_0 = arith.constant 0 : i32
    %c0_i32_1 = arith.constant 0 : i32
    return %c0_i32, %c0_i32_0 : i32, i32
  }
  func.func @transform_3(%arg0: i32) -> (i32, i32) {
    %c0_i32 = arith.constant 0 : i32
    %c0_i32_0 = arith.constant 0 : i32
    %c0_i32_1 = arith.constant 0 : i32
    return %c0_i32, %c0_i32_0 : i32, i32
  }
  func.func @transform_4(%arg0: i32) -> (i32, i32, i32) {
    %c0_i32 = arith.constant 0 : i32
    %c0_i32_0 = arith.constant 0 : i32
    %c0_i32_1 = arith.constant 0 : i32
    return %arg0, %c0_i32, %c0_i32_0 : i32, i32, i32
  }
  func.func @transform_5(%arg0: i32) -> (i32, i32) {
    %c0_i32 = arith.constant 0 : i32
    %c0_i32_0 = arith.constant 0 : i32
    %c0_i32_1 = arith.constant 0 : i32
    return %c0_i32, %c0_i32_0 : i32, i32
  }
}

</mosaic_0001>

<sc_bundles>
// kernel: kernel.6.cloned.1.call-start
scs
__scs_entry_jumppad:
0x0: {  	(pc) =	sbr.rel $0x88, $3  }
0x1: {  	(tag) =	ssettag $0x0;
	lr =	simm.s32 $0x1  }
0x2: {  	[smem:$0x3F99] =	sst lr;
	_ =	strace $0xD0000000  }
0x3: {  	_ = 	snop  }
0x4: {  	_ = 	snop  }
0x5: {  	_ = 	snop  }
0x6: {  	_ = 	snop  }
0x7: {  	_ = 	snop  }
__scs_overlays_trampoline_lowered:
0x8: {  	[smem:$0x3FA8] =	sst s0  }
0x9: {  	[smem:$0x3FA9] =	sst s1  }
0xa: {  	[smem:$0x3FAA] =	sst s2  }
0xb: {  	[smem:$0x3FAB] =	sst s3  }
0xc: {  	[smem:$0x3FAC] =	sst s4  }
0xd: {  	[smem:$0x3FAD] =	sst s5  }
0xe: {  	[smem:$0x3FAE] =	sst s6  }
0xf: {  	[smem:$0x3FAF] =	sst s7  }
0x10: {  	[smem:$0x3FB0] =	sst s8  }
0x11: {  	[smem:$0x3FB1] =	sst s9;
	s0 =	simm.s32 @!p0 $0x0  }
0x12: {  	s1 =	sld [smem:$0x3F97];
	s0 =	simm.s32 @p0 $0x1  }
0x13: {  	[smem:$0x3FB2] =	sst s0;
	s0 =	simm.s32 @!p1 $0x0  }
0x14: {  	s2 =	sld [smem:$0x3F96];
	s0 =	simm.s32 @p1 $0x1  }
0x15: {  	[smem:$0x3FB3] =	sst s0;
	s0 =	simm.s32 @!p2 $0x0  }
0x16: {  	s3 =	sld [smem:$0x3FDB];
	s0 =	simm.s32 @p2 $0x1  }
0x17: {  	s4 =	simm.s32 $0x1BF5;
	[smem:$0x3FB5] =	sst s0  }
0x18: {  	s0 =	sld [smem:$0x3F98];
	_ =	swait.ge [sflag:s4], $0x0  }
0x19: {  	s7 =	sld [smem:$0x3F99]  }
0x1a: {  	s8 =	sadd.s32 $0xFFFFE003, lr  }
0x1b: {  	s9 =	sadd.s32 $0xFFFFFEF7, lr;
	s5 =	simm.s32 $0xFFFFFFFF;
	p2 =	slt.u32 s8, $0xFFFFF086  }
0x1c: {  	p1 =	slt.u32 s9, $0xF7A;
	s5 =	simm.s32 @!p2 $0x0  }
0x1d: {  	s5 =	simm.s32 @p1 $0x1;
	p0 =	seq.s32 s7, s2  }
0x1e: {  	s7 =	smul.u32 @!p0 $0xF7A, s2;
	p2 =	seq.s32 @!p0 s5, $0x0  }
0x1f: {  	s9 =	smul.u32 $0xF7A, s1;
	s8 =	simm.s32 @!p0 $0x1BF5;
	p2 =	por !p2, p0  }
0x20: {  	[sflag:s8] =	ssyncset.s32 @!p0 $0xFFFFF086;
	s6 =	sadd.s32 @!p0 s3, s7;
	s7 =	simm.s32 @!p0 $0x108  }
0x21: {  	s3 =	sadd.s32 s3, s9;
	s6 =	sadd.s32 @!p0 $0x88, s6;
	s7 =	simm.s32 @p2 $0x1082  }
0x22: {  	[simem:s7], [sflag:s8] =	dma.local @!p0 [hbm:s6], $0xF7A  }
0x23: {  	s9 =	sor.u32 $0xD0000000, s2;
	s6 =	simm.s32 $0x108;
	_ =	swait.ge @!p0 [sflag:s8], $0x0  }
0x24: {  	s3 =	sadd.s32 $0x88, s3;
	s6 =	simm.s32 @!p1 $0x1082;
	[sflag:s4] =	ssyncset.s32 $0xFFFFF086  }
0x25: {  	[simem:s6], [sflag:s4] =	dma.local [hbm:s3], $0xF7A  }
0x26: {  	[smem:$0x3F99] =	sst s1;
	(tag) =	ssettag s2;
	_ =	strace s9  }
0x27: {  	s1 =	sld [smem:$0x3FA9]  }
0x28: {  	s2 =	sld [smem:$0x3FAA]  }
0x29: {  	s4 =	sld [smem:$0x3FAC]  }
0x2a: {  	p0 =	seq.s32 s5, $0x0;
	s5 =	sld [smem:$0x3FAD]  }
0x2b: {  	s6 =	sld [smem:$0x3FAE]  }
0x2c: {  	s7 =	sld [smem:$0x3FAF]  }
0x2d: {  	s3 =	simm.s32 $0x108;
	s8 =	sld [smem:$0x3FB0]  }
0x2e: {  	s3 =	simm.s32 @!p0 $0x1082;
	s9 =	sld [smem:$0x3FB1]  }
0x2f: {  	lr =	sadd.s32 s0, s3;
	s0 =	sld [smem:$0x3FA8]  }
0x30: {  	s3 =	sld [smem:$0x3FAB]  }
0x31: {  	[smem:$0x3FB4] =	sst s10  }
0x32: {  	s10 =	sld [smem:$0x3FB2];
	_ =	sdelay $0x3  }
0x33: {  	p0 =	seq.s32 s10, $0x1;
	s10 =	sld [smem:$0x3FB4];
	_ =	sdelay $0x3  }
0x34: {  	[smem:$0x3FB4] =	sst s10  }
0x35: {  	s10 =	sld [smem:$0x3FB3];
	_ =	sdelay $0x3  }
0x36: {  	p1 =	seq.s32 s10, $0x1;
	s10 =	sld [smem:$0x3FB4];
	_ =	sdelay $0x3  }
0x37: {  	[smem:$0x3FB4] =	sst s10  }
0x38: {  	s10 =	sld [smem:$0x3FB5]  }
0x39: {  	_ = 	snop;
	(pc) =	sbr.ind lr, $3  }
0x3a: {  	_ = 	snop  }
0x3b: {  	_ = 	snop  }
0x3c: {  	p2 =	seq.s32 s10, $0x1;
	s10 =	sld [smem:$0x3FB4]  }
0x3d: {  	_ =	shalt  }
0x3e: {  	_ =	shalt  }
0x3f: {  	_ =	shalt  }
0x40: {  	_ =	shalt  }
0x41: {  	_ =	shalt  }
0x42: {  	_ =	shalt  }
0x43: {  	_ =	shalt  }
0x44: {  	_ =	shalt  }
0x45: {  	_ =	shalt  }
0x46: {  	_ =	shalt  }
0x47: {  	_ =	shalt  }
0x48: {  	_ =	shalt  }
0x49: {  	_ =	shalt  }
0x4a: {  	_ =	shalt  }
0x4b: {  	_ =	shalt  }
0x4c: {  	_ =	shalt  }
0x4d: {  	_ =	shalt  }
0x4e: {  	_ =	shalt  }
0x4f: {  	_ =	shalt  }
0x50: {  	_ =	shalt  }
0x51: {  	_ =	shalt  }
0x52: {  	_ =	shalt  }
0x53: {  	_ =	shalt  }
0x54: {  	_ =	shalt  }
0x55: {  	_ =	shalt  }
0x56: {  	_ =	shalt  }
0x57: {  	_ =	shalt  }
0x58: {  	_ =	shalt  }
0x59: {  	_ =	shalt  }
0x5a: {  	_ =	shalt  }
0x5b: {  	_ =	shalt  }
0x5c: {  	_ =	shalt  }
0x5d: {  	_ =	shalt  }
0x5e: {  	_ =	shalt  }
0x5f: {  	_ =	shalt  }
0x60: {  	_ =	shalt  }
0x61: {  	_ =	shalt  }
0x62: {  	_ =	shalt  }
0x63: {  	_ =	shalt  }
0x64: {  	_ =	shalt  }
0x65: {  	_ =	shalt  }
0x66: {  	_ =	shalt  }
0x67: {  	_ =	shalt  }
0x68: {  	_ =	shalt  }
0x69: {  	_ =	shalt  }
0x6a: {  	_ =	shalt  }
0x6b: {  	_ =	shalt  }
0x6c: {  	_ =	shalt  }
0x6d: {  	_ =	shalt  }
0x6e: {  	_ =	shalt  }
0x6f: {  	_ =	shalt  }
0x70: {  	_ =	shalt  }
0x71: {  	_ =	shalt  }
0x72: {  	_ =	shalt  }
0x73: {  	_ =	shalt  }
0x74: {  	_ =	shalt  }
0x75: {  	_ =	shalt  }
0x76: {  	_ =	shalt  }
0x77: {  	_ =	shalt  }
0x78: {  	_ =	shalt  }
0x79: {  	_ =	shalt  }
0x7a: {  	_ =	shalt  }
0x7b: {  	_ =	shalt  }
0x7c: {  	_ =	shalt  }
0x7d: {  	_ =	shalt  }
0x7e: {  	_ =	shalt  }
0x7f: {  	_ =	shalt  }
0x80: {  	_ =	shalt  }
0x81: {  	_ =	shalt  }
0x82: {  	_ =	shalt  }
0x83: {  	_ =	shalt  }
0x84: {  	_ =	shalt  }
0x85: {  	_ =	shalt  }
0x86: {  	_ =	shalt  }
0x87: {  	_ =	shalt  }
.Lfunc_end0:
.L_simem_size_0:
called_computation_lowered:
.L_overlay_start_0:
0x88: {  	s2 =	sld [smem:$0x3FD9]  }
0x89: {  	s3 =	sld [smem:$0x3FFE];
	_ =	sdelay $0x1  }
0x8a: {  	s1 =	srdreg.scid  }
0x8b: {  	s0 =	sand.u32 $0x1, s1  }
0x8c: {  	s16 =	sshll.u32 s0, $0xA;
	s2 =	sadd.s32 s3, s2  }
0x8d: {  	s2 =	sadd.s32 s2, s16  }
0x8e: {  	[smem:$0x3FC0] =	sst s2  }
0x8f: {  	_ = 	snop  }
0x90: {  	(tm) =	ssettm $0x1  }
0x91: {  	s17 =	sld [smem:$0x3FFB];
	_ =	sdelay $0x3  }
0x92: {  	_ =	strace s17  }
0x93: {  	s2 =	sld [smem:$0x3FFC];
	_ =	sdelay $0x3  }
0x94: {  	_ =	strace s2  }
0x95: {  	s2 =	sld [smem:$0x3FFD];
	_ =	sdelay $0x3  }
0x96: {  	_ =	strace s2  }
0x97: {  	_ =	strace $0x8FFFFFFF  }
0x98: {  	s18 =	sld [smem:$0x3FDB];
	_ =	sdelay $0x1  }
0x99: {  	s19 =	simm.s32 $_scs_section_size  }
0x9a: {  	s4 =	simm.s32 $_size__tile_overlayer_lowered;
	s5 =	simm.s32 $_tile_overlayer_lowered  }
0x9b: {  	s22 =	simm.s32 $0x1BFF;
	s21 =	sshll.u32 s5, $0x1;
	s2 =	sadd.s32 s19, s18  }
0x9c: {  	s6 =	simm.s32 $0x0;
	s20 =	sshll.u32 s4, $0x1;
	s4 =	sadd.s32 s21, s2  }
0x9d: {  	[timem:s6], [sflag:s22] =	dma.local [hbm:s4], s20  }
0x9e: {  	_ =	swait.ge [sflag:s22], s20  }
0x9f: {  	s3 =	ssub.s32 $0x0, s20;
	[sflag:s22] =	ssyncset.done $0x0  }
0xa0: {  	[sflag:s22] =	ssyncadd.s32 s3;
	_ =	sdelay $0x1  }
0xa1: {  	s23 =	simm.s32 $0x1B8B  }
0xa2: {  	_ =	swait.ge [sflag:s23], $0x1  }
0xa3: {  	[sflag:s23] =	ssyncset.done $0x0  }
0xa4: {  	s25 =	simm.s32 $0x1B8E;
	s24 =	sld [smem:$0x3FFE];
	[sflag:s23] =	ssyncadd.s32 $0xFFFFFFFF  }
0xa5: {  	s26 =	simm.s32 $execute0_lowered;
	[smem:$0x3FD2] =	sst s25  }
0xa6: {  	s4 =	sshll.u32 s26, $0x1;
	_ =	strace $0x80000046;
	[dreg:$0x1] =	wrdreg $0xFFFFFFFF  }
0xa7: {  	s28 =	simm.s32 $_size_execute0_lowered;
	s2 =	sadd.s32 s2, s4;
	[dreg:$0x0] =	wrdreg $0x0  }
0xa8: {  	s4 =	sshll.u32 s28, $0x1;
	[dreg:$0x2] =	wrdreg s2  }
0xa9: {  	[dreg:$0x3] =	wrdreg s4  }
0xaa: {  	[dreg:$0x4] =	wrdreg $0xC0  }
0xab: {  	_ =	task [dreg:s6], $0x5FFFF  }
0xac: {  	[dreg:$0x1] =	wrdreg $0xFFFFFFFF  }
0xad: {  	[dreg:$0x0] =	wrdreg $0x60  }
0xae: {  	[dreg:$0x2] =	wrdreg s24  }
0xaf: {  	[dreg:$0x3] =	wrdreg $0xA8000  }
0xb0: {  	[dreg:$0x4] =	wrdreg $0x9  }
0xb1: {  	_ =	task.clear_ibuf [dreg:s6], $0x5FFFF;
	_ =	strace $0x90000046  }
0xb2: {  	s29 =	simm.s32 $0x9;
	_ =	strace $0x80000048  }
0xb3: {  	_ =	swait.ge [sflag:s29], $0x1  }
0xb4: {  	[sflag:s29] =	ssyncadd.s32 $0xFFFFFFFF  }
0xb5: {  	_ =	strace $0x90000048  }
0xb6: {  	_ =	sfence  }
0xb7: {  	s30 =	sld [smem:$0x0];
	_ =	sdelay $0x2  }
0xb8: {  	s31 =	sshll.u32 s1, $0xD;
	s1 =	sshrl.u32 s1, $0x2  }
0xb9: {  	s3 =	sand.u32 $0x4000, s31;
	s1 =	sadd.s32 s1, s30  }
0xba: {  	s0 =	sor.u32 s3, s0;
	s1 =	sshll.u32 s1, $0x11  }
0xbb: {  	s0 =	sor.u32 s1, s0  }
0xbc: {  	s0 =	sadd.s32 $0x8F2B, s0  }
0xbd: {  	[sflag:s0] =	ssyncadd.remote.s32 $0x1  }
0xbe: {  	_ =	sfence.sel $0xFFFF  }
0xbf: {  	[dreg:$0x0] =	wrdreg $0xFFFFFFFF;
	(pc) =	sbr.abs _section_cstart, $3  }
0xc0: {  	[dreg:$0x1] =	wrdreg $0xFFFFFFFF  }
0xc1: {  	_ =	task.clear_ibuf [dreg:s6], $0x2FFFF;
	_ =	strace $0x9FFFFFFF  }
0xc2: {  	(tm) =	ssettm $0x7FFFFFFF  }
0xc3: {  	_ =	shalt  }
tec
execute0_lowered:
.L_overlay_start_1:
0x0: {  	(tag) =	ssettag $0x1  }
0x1: {  	s0 =	rddreg [dreg:$0x0]  }
0x2: {  	s1 =	rddreg [dreg:$0x1]  }
0x3: {  	s2 =	simm.s32 $0x0;
	s3 =	srdreg.scid;
	s13 =	stileid.u32  }
0x4: {  	s28 =	simm.s32 $0x40;
	s29 =	simm.s32 $0x4800;
	s30 =	simm.s32 $0x80  }
0x5: {  	s31 =	simm.s32 $0x6800;
	[smem:$0x7FF] =	sst s2;
	s8 =	smul.u32 $0xF0, s13  }
0x6: {  	s4 =	sadd.s32 $0x29C00, s0;
	s5 =	sadd.s32 $0x50BC00, s0;
	s9 =	smul.u32 $0x50, s13  }
0x7: {  	s6 =	sadd.s32 $0x15C00, s0;
	s3 =	sand.u32 $0x1, s3;
	s12 =	smul.u32 $0x50000, s13  }
0x8: {  	s7 =	sadd.s32 $0x1C00, s0;
	s11 =	sadd.s32 $0x1400, s0;
	s13 =	smul.u32 $0x14000, s13  }
0x9: {  	s17 =	sadd.s32 $0x51C00, s0;
	s16 =	sadd.s32 $0x50C000, s0;
	_ =	strace $0x80000047  }
0xa: {  	s10 =	ssub.s32 $0x2, s3;
	[dreg:$0x3] =	wrdreg s11;
	p0 =	seq.s32 s3, $0x0  }
0xb: {  	s3 =	smul.u32 $0x140000, s3;
	s19 =	sshrl.u32 s10, $0x1;
	s9 =	sadd.s32 $0xF00, s9  }
0xc: {  	s20 =	sshrl.u32 s12, $0x2;
	s21 =	sadd.s32 $0x4000, s13;
	s24 =	sadd.s32 $0x8000, s13  }
0xd: {  	s18 =	sadd.s32 $0xC000, s13;
	s11 =	ssub.s32 s10, s19;
	s9 =	smov.u32 @p0 s8  }
0xe: {  	s10 =	simm.s32 $0x6;
	s14 =	sadd.s32 s20, s1;
	s22 =	sadd.s32 s21, s1  }
0xf: {  	s23 =	sadd.s32 s24, s1;
	s15 =	sadd.s32 s18, s1;
	s19 =	sadd.s32 $0x10000, s13  }
0x10: {  	s25 =	sadd.s32 s13, s3;
	s12 =	sadd.s32 s3, s21;
	s8 =	sadd.s32 s3, s24  }
0x11: {  	s18 =	sadd.s32 s3, s18;
	s10 =	simm.s32 @!p0 $0x2;
	s20 =	sadd.s32 s19, s1  }
0x12: {  	s0 =	sshrl.u32 s25, $0x3;
	s26 =	sshrl.u32 s12, $0x3;
	[dreg:$0x4] =	wrdreg s22  }
0x13: {  	s8 =	sshrl.u32 s8, $0x3;
	s3 =	sadd.s32 s3, s19;
	[dreg:$0x5] =	wrdreg s23  }
0x14: {  	s25 =	smax.u32 s11, $0x1;
	s19 =	simm.s32 $0x2700;
	[dreg:$0x6] =	wrdreg s15  }
0x15: {  	[dreg:$0x7] =	wrdreg s14;
	s0 =	sadd.s32 s17, s0;
	s12 =	smov.u32 s20  }
0x16: {  	s13 =	sadd.s32 s17, s8;
	s20 =	sshll.u32 s9, $0xA;
	s21 =	sshrl.u32 s3, $0x3  }
0x17: {  	[dreg:$0xd] =	wrdreg s25;
	s25 =	simm.s32 $0x5;
	s3 =	simm.s32 $0x1  }
0x18: {  	s8 =	simm.s32 $0x2;
	[dreg:$0x8] =	wrdreg s0;
	s0 =	sadd.s32 s17, s26  }
0x19: {  	[dreg:$0xa] =	wrdreg s13;
	s24 =	sadd.s32 s20, s5;
	s20 =	simm.s32 $0x2780  }
.Ltmp0:
0x1a: {  	[dreg:$0x9] =	wrdreg s0;
	s0 =	sshrl.u32 s18, $0x3;
	(pc) =	sbr.rel .LBB2_1-.Ltmp0, $4  }
0x1b: {  	s26 =	sadd.s32 $0x800, s24;
	s24 =	simm.s32 $0x2800;
	s18 =	simm.s32 $0x4  }
0x1c: {  	s0 =	sadd.s32 s17, s0;
	[dreg:$0xe] =	wrdreg s26;
	s26 =	simm.s32 $0x1400  }
0x1d: {  	[dreg:$0xb] =	wrdreg s0;
	s0 =	sadd.s32 s17, s21;
	s17 =	simm.s32 $0x3  }
0x1e: {  	s21 =	simm.s32 $0x0;
	[dreg:$0xc] =	wrdreg s0;
	s0 =	simm.s32 $0x8800  }
.LBB2_7:
0x1f: {  	[bflag:$0x0] =	sbarrier.arrive $0xFFFF  }
0x20: {  	s14 =	rddreg [dreg:$0x7]  }
0x21: {  	[tilespmem:s24], [sflag:$0x5] =	stream.linear.gather [spmem:s14], $0x4000, $0x38;
	[tilespmem:$0x1E800] =	vst v63  }
0x22: {  	_ =	swait.ge [sflag:s25], $0x4000  }
0x23: {  	[sflag:s25] =	ssyncset.done $0x0  }
0x24: {  	s11 =	rddreg [dreg:$0x8];
	[sflag:s25] =	ssyncadd.s32 $0xFFFFC000  }
0x25: {  	[hbm4b:s11+s2] =	stream.linear.scatter [tilespmem:s24], [sflag:$0x5], $0x4000, $0x38;
	[tilespmem:$0x1E800] =	vst v63  }
0x26: {  	_ =	swait.ge [sflag:s25], $0x4000  }
0x27: {  	[sflag:s25] =	ssyncset.done $0x0  }
0x28: {  	s22 =	rddreg [dreg:$0x4];
	[sflag:s25] =	ssyncadd.s32 $0xFFFFC000  }
0x29: {  	[tilespmem:s24], [sflag:$0x5] =	stream.linear.gather [spmem:s22], $0x4000, $0x38;
	[tilespmem:$0x1E800] =	vst v63  }
0x2a: {  	_ =	swait.ge [sflag:s25], $0x4000  }
0x2b: {  	[sflag:s25] =	ssyncset.done $0x0  }
0x2c: {  	s13 =	rddreg [dreg:$0x9];
	[sflag:s25] =	ssyncadd.s32 $0xFFFFC000  }
0x2d: {  	[hbm4b:s13+s2] =	stream.linear.scatter [tilespmem:s24], [sflag:$0x5], $0x4000, $0x38;
	[tilespmem:$0x1E800] =	vst v63  }
0x2e: {  	_ =	swait.ge [sflag:s25], $0x4000  }
0x2f: {  	[sflag:s25] =	ssyncset.done $0x0  }
0x30: {  	s23 =	rddreg [dreg:$0x5];
	[sflag:s25] =	ssyncadd.s32 $0xFFFFC000  }
0x31: {  	[tilespmem:s24], [sflag:$0x5] =	stream.linear.gather [spmem:s23], $0x4000, $0x38;
	[tilespmem:$0x1E800] =	vst v63  }
0x32: {  	_ =	swait.ge [sflag:s25], $0x4000  }
0x33: {  	[sflag:s25] =	ssyncset.done $0x0  }
0x34: {  	s15 =	rddreg [dreg:$0xa];
	[sflag:s25] =	ssyncadd.s32 $0xFFFFC000  }
0x35: {  	[hbm4b:s15+s2] =	stream.linear.scatter [tilespmem:s24], [sflag:$0x5], $0x4000, $0x38;
	[tilespmem:$0x1E800] =	vst v63  }
0x36: {  	_ =	swait.ge [sflag:s25], $0x4000  }
0x37: {  	[sflag:s25] =	ssyncset.done $0x0  }
0x38: {  	s15 =	rddreg [dreg:$0x6];
	[sflag:s25] =	ssyncadd.s32 $0xFFFFC000  }
0x39: {  	[tilespmem:s24], [sflag:$0x5] =	stream.linear.gather [spmem:s15], $0x4000, $0x38;
	[tilespmem:$0x1E800] =	vst v63  }
0x3a: {  	_ =	swait.ge [sflag:s25], $0x4000  }
0x3b: {  	[sflag:s25] =	ssyncset.done $0x0  }
0x3c: {  	s13 =	rddreg [dreg:$0xb];
	[sflag:s25] =	ssyncadd.s32 $0xFFFFC000  }
0x3d: {  	[hbm4b:s13+s2] =	stream.linear.scatter [tilespmem:s24], [sflag:$0x5], $0x4000, $0x38;
	[tilespmem:$0x1E800] =	vst v63  }
0x3e: {  	_ =	swait.ge [sflag:s25], $0x4000  }
0x3f: {  	[sflag:s25] =	ssyncset.done $0x0  }
0x40: {  	[sflag:s25] =	ssyncadd.s32 $0xFFFFC000  }
0x41: {  	[tilespmem:s24], [sflag:$0x5] =	stream.linear.gather [spmem:s12], $0x4000, $0x38;
	[tilespmem:$0x1E800] =	vst v63  }
0x42: {  	_ =	swait.ge [sflag:s25], $0x4000  }
0x43: {  	[sflag:s25] =	ssyncset.done $0x0  }
0x44: {  	s13 =	rddreg [dreg:$0xc];
	[sflag:s25] =	ssyncadd.s32 $0xFFFFC000  }
0x45: {  	[hbm4b:s13+s2] =	stream.linear.scatter [tilespmem:s24], [sflag:$0x5], $0x4000, $0x38;
	[tilespmem:$0x1E800] =	vst v63  }
0x46: {  	_ =	swait.ge [sflag:s25], $0x4000  }
0x47: {  	s21 =	sadd.s32 $0x1, s21;
	s13 =	rddreg [dreg:$0xd]  }
0x48: {  	p0 =	sne.s32 s21, s13  }
.Ltmp1:
0x49: {  	_ = 	snop;
	(pc) =	sbr.rel @!p0 .LBB2_8-.Ltmp1, $3  }
0x4a: {  	_ =	sdelay $0x1  }
0x4b: {  	[sflag:s25] =	ssyncset.done $0x0  }
0x4c: {  	[sflag:s25] =	ssyncadd.s32 $0xFFFFC000  }
.LBB2_1:
0x4d: {  	s11 =	rddreg [dreg:$0x3]  }
0x4e: {  	[tilespmem:s24], [sflag:$0x5] =	stream.linear.gather [hbm4b:s11+s2], $0x4000, $0x38;
	[tilespmem:$0x1E800] =	vst v63  }
0x4f: {  	_ =	swait.ge [sflag:s25], $0x4000  }
0x50: {  	[sflag:s25] =	ssyncset.done $0x0  }
0x51: {  	[sflag:s25] =	ssyncadd.s32 $0xFFFFC000  }
0x52: {  	[spmem:s14] =	stream.linear.scatter [tilespmem:s24], [sflag:$0x5], $0x4000, $0x38;
	[tilespmem:$0x1E800] =	vst v63  }
0x53: {  	_ =	swait.ge [sflag:s25], $0x4000  }
0x54: {  	[sflag:s25] =	ssyncset.done $0x0  }
0x55: {  	[sflag:s25] =	ssyncadd.s32 $0xFFFFC000  }
0x56: {  	[spmem:s22] =	stream.linear.scatter [tilespmem:s24], [sflag:$0x5], $0x4000, $0x38;
	[tilespmem:$0x1E800] =	vst v63  }
0x57: {  	_ =	swait.ge [sflag:s25], $0x4000  }
0x58: {  	[sflag:s25] =	ssyncset.done $0x0  }
0x59: {  	[sflag:s25] =	ssyncadd.s32 $0xFFFFC000  }
0x5a: {  	[spmem:s23] =	stream.linear.scatter [tilespmem:s24], [sflag:$0x5], $0x4000, $0x38;
	[tilespmem:$0x1E800] =	vst v63  }
0x5b: {  	_ =	swait.ge [sflag:s25], $0x4000  }
0x5c: {  	[sflag:s25] =	ssyncset.done $0x0  }
0x5d: {  	[sflag:s25] =	ssyncadd.s32 $0xFFFFC000  }
0x5e: {  	[spmem:s15] =	stream.linear.scatter [tilespmem:s24], [sflag:$0x5], $0x4000, $0x38;
	[tilespmem:$0x1E800] =	vst v63  }
0x5f: {  	_ =	swait.ge [sflag:s25], $0x4000  }
0x60: {  	[sflag:s25] =	ssyncset.done $0x0  }
0x61: {  	[sflag:s25] =	ssyncadd.s32 $0xFFFFC000  }
0x62: {  	[spmem:s12] =	stream.linear.scatter [tilespmem:s24], [sflag:$0x5], $0x4000, $0x38;
	[tilespmem:$0x1E800] =	vst v63  }
.Ltmp2:
0x63: {  	_ =	swait.ge [sflag:s25], $0x4000;
	(pc) =	sbr.rel .LBB2_2-.Ltmp2, $4  }
0x64: {  	[sflag:s25] =	ssyncset.done $0x0  }
0x65: {  	[sflag:s25] =	ssyncadd.s32 $0xFFFFC000  }
0x66: {  	[bflag:$0x0] =	sbarrier.arrive $0xFFFF  }
0x67: {  	s22 =	simm.s32 $0x0;
	s23 =	rddreg [dreg:$0xe]  }
.LBB2_6:
0x68: {  	s22 =	sadd.s32 $0x1, s22  }
0x69: {  	p0 =	sne.s32 s22, $0x6  }
.Ltmp3:
0x6a: {  	_ = 	snop;
	(pc) =	sbr.rel @!p0 .LBB2_7-.Ltmp3, $2  }
0x6b: {  	_ =	sdelay $0x2  }
0x6c: {  	s23 =	sadd.s32 $0xA000, s23  }
.LBB2_2:
0x6d: {  	p0 =	sge.u32 s22, s10  }
.Ltmp4:
0x6e: {  	_ = 	snop;
	(pc) =	sbr.rel @p0 .LBB2_6-.Ltmp4, $1  }
0x6f: {  	_ =	sdelay $0x3  }
0x70: {  	s11 =	smul.u32 $0x28, s22;
	_ =	sdelay $0x1  }
0x71: {  	s11 =	sadd.s32 s9, s11  }
0x72: {  	s15 =	smov.u32 s12;
	s12 =	sshll.u32 s11, $0x4  }
0x73: {  	s14 =	simm.s32 $0x0;
	s13 =	sadd.s32 s6, s12  }
0x74: {  	[tilespmem:s14], [sflag:$0x5] =	stream.linear.gather [hbm4b:s13+s14], $0x1400, $0x38;
	[tilespmem:$0x1E800] =	vst v63  }
0x75: {  	_ =	swait.ge [sflag:s25], $0x1400  }
0x76: {  	[sflag:s25] =	ssyncset.done $0x0  }
0x77: {  	s12 =	sadd.s32 s7, s12;
	[sflag:s25] =	ssyncadd.s32 $0xFFFFEC00  }
0x78: {  	[tilespmem:s26], [sflag:$0x5] =	stream.linear.gather [hbm4b:s12+s14], $0x1400, $0x38;
	[tilespmem:$0x1E800] =	vst v63  }
0x79: {  	_ =	swait.ge [sflag:s25], $0x1400  }
0x7a: {  	s11 =	sshll.u32 s11, $0xA;
	[sflag:s25] =	ssyncset.done $0x0  }
0x7b: {  	s11 =	sand.u32 $0x1FFFE000, s11;
	[sflag:s25] =	ssyncadd.s32 $0xFFFFEC00  }
0x7c: {  	[tilespmem:s24], [sflag:$0x1] =	stream.indirect.gather [hbm4b:s4+s28], $0x80, s14, s28, $0xb8;
	[tilespmem:$0x1E800] =	vst v63  }
0x7d: {  	s13 =	sadd.s32 s5, s11  }
0x7e: {  	[tilespmem:s29], [sflag:$0x1] =	stream.linear.gather [hbm4b:s13+s14], $0x2000, $0x38;
	[tilespmem:$0x1E800] =	vst v63  }
0x7f: {  	_ = 	snop  }
0x80: {  	[tilespmem:s31], [sflag:$0x2] =	stream.indirect.gather [hbm4b:s4+s28], $0x80, s30, s28, $0xb8;
	[tilespmem:$0x1E800] =	vst v63  }
0x81: {  	s11 =	sadd.s32 s11, s16  }
0x82: {  	[tilespmem:s0], [sflag:$0x2] =	stream.linear.gather [hbm4b:s11+s14], $0x2000, $0x38;
	[tilespmem:$0x1E800] =	vst v63  }
0x83: {  	_ =	swait.ge [sflag:s3], $0x2000  }
0x84: {  	[sflag:s3] =	ssyncset.done $0x0  }
0x85: {  	[sflag:s3] =	ssyncadd.s32 $0xFFFFE000  }
0x86: {  	_ =	swait.ge [sflag:s3], $0x2000  }
0x87: {  	[sflag:s3] =	ssyncset.done $0x0  }
0x88: {  	s14 =	simm.s32 $0x1400;
	[sflag:s3] =	ssyncadd.s32 $0xFFFFE000  }
0x89: {  	[spmem:s1] =	stream.indirect.scatter.add.f32 [tilespmem:s24], [sflag:$0x3], $0x80, s14, s30, $0xb8;
	[tilespmem:$0x1E800] =	vst v63  }
0x8a: {  	_ =	swait.ge [sflag:s8], $0x2000  }
0x8b: {  	[sflag:s8] =	ssyncset.done $0x0  }
0x8c: {  	[sflag:s8] =	ssyncadd.s32 $0xFFFFE000  }
0x8d: {  	_ =	swait.ge [sflag:s8], $0x2000  }
0x8e: {  	[sflag:s8] =	ssyncset.done $0x0  }
0x8f: {  	s12 =	simm.s32 $0x1480;
	[sflag:s8] =	ssyncadd.s32 $0xFFFFE000  }
0x90: {  	[spmem:s1] =	stream.indirect.scatter.add.f32 [tilespmem:s31], [sflag:$0x4], $0x80, s12, s30, $0xb8;
	[tilespmem:$0x1E800] =	vst v63  }
0x91: {  	_ =	swait.ge [sflag:s17], $0x4000  }
0x92: {  	[sflag:s17] =	ssyncset.done $0x0  }
0x93: {  	s13 =	simm.s32 $0x100;
	[sflag:s17] =	ssyncadd.s32 $0xFFFFC000  }
0x94: {  	[tilespmem:s24], [sflag:$0x1] =	stream.indirect.gather [hbm4b:s4+s28], $0x80, s13, s28, $0xb8;
	[tilespmem:$0x1E800] =	vst v63  }
0x95: {  	_ = 	snop  }
0x96: {  	[tilespmem:s29], [sflag:$0x1] =	stream.linear.gather [hbm4b:s23+s2], $0x2000, $0x38;
	[tilespmem:$0x1E800] =	vst v63  }
0x97: {  	_ =	swait.ge [sflag:s18], $0x4000  }
0x98: {  	s11 =	simm.s32 $0x400;
	s14 =	simm.s32 $0x180;
	[sflag:s18] =	ssyncset.done $0x0  }
0x99: {  	s12 =	sadd.s32 $0x800, s23;
	s13 =	sadd.s32 $0x400, s23;
	[sflag:s18] =	ssyncadd.s32 $0xFFFFC000  }
0x9a: {  	[tilespmem:s31], [sflag:$0x2] =	stream.indirect.gather [hbm4b:s4+s28], $0x80, s14, s28, $0xb8;
	[tilespmem:$0x1E800] =	vst v63  }
.LBB2_4:
0x9b: {  	[tilespmem:s0], [sflag:$0x2] =	stream.linear.gather [hbm4b:s13+s2], $0x2000, $0x38;
	[tilespmem:$0x1E800] =	vst v63  }
0x9c: {  	s13 =	smov.u32 s11  }
0x9d: {  	p0 =	sne.s32 s11, $0x4800;
	s11 =	sadd.s32 $0x400, s11;
	_ =	swait.ge [sflag:s3], $0x2000  }
0x9e: {  	[sflag:s3] =	ssyncset.done $0x0  }
0x9f: {  	[sflag:s3] =	ssyncadd.s32 $0xFFFFE000  }
0xa0: {  	_ =	swait.ge [sflag:s3], $0x2000  }
0xa1: {  	s13 =	sshra.s32 s13, $0x2;
	[sflag:s3] =	ssyncset.done $0x0  }
0xa2: {  	s14 =	sadd.s32 $0x1400, s13;
	[sflag:s3] =	ssyncadd.s32 $0xFFFFE000  }
0xa3: {  	[spmem:s1] =	stream.indirect.scatter.add.f32 [tilespmem:s24], [sflag:$0x3], $0x80, s14, s30, $0xb8;
	[tilespmem:$0x1E800] =	vst v63  }
0xa4: {  	_ =	swait.ge [sflag:s8], $0x2000  }
0xa5: {  	[sflag:s8] =	ssyncset.done $0x0  }
0xa6: {  	[sflag:s8] =	ssyncadd.s32 $0xFFFFE000  }
0xa7: {  	_ =	swait.ge [sflag:s8], $0x2000  }
0xa8: {  	[sflag:s8] =	ssyncset.done $0x0  }
0xa9: {  	s14 =	sadd.s32 $0x1480, s13;
	[sflag:s8] =	ssyncadd.s32 $0xFFFFE000  }
0xaa: {  	[spmem:s1] =	stream.indirect.scatter.add.f32 [tilespmem:s31], [sflag:$0x4], $0x80, s14, s30, $0xb8;
	[tilespmem:$0x1E800] =	vst v63  }
0xab: {  	_ =	swait.ge [sflag:s17], $0x4000  }
0xac: {  	[sflag:s17] =	ssyncset.done $0x0  }
0xad: {  	s14 =	sadd.s32 $0x100, s13;
	[sflag:s17] =	ssyncadd.s32 $0xFFFFC000  }
0xae: {  	[tilespmem:s24], [sflag:$0x1] =	stream.indirect.gather [hbm4b:s4+s28], $0x80, s14, s28, $0xb8;
	[tilespmem:$0x1E800] =	vst v63  }
0xaf: {  	_ = 	snop  }
0xb0: {  	[tilespmem:s29], [sflag:$0x1] =	stream.linear.gather [hbm4b:s12+s2], $0x2000, $0x38;
	[tilespmem:$0x1E800] =	vst v63  }
.Ltmp5:
0xb1: {  	_ =	swait.ge [sflag:s18], $0x4000;
	(pc) =	sbr.rel @p0 .LBB2_4-.Ltmp5, $4  }
0xb2: {  	[sflag:s18] =	ssyncset.done $0x0  }
0xb3: {  	s13 =	sadd.s32 $0x180, s13;
	[sflag:s18] =	ssyncadd.s32 $0xFFFFC000  }
0xb4: {  	[tilespmem:s31], [sflag:$0x2] =	stream.indirect.gather [hbm4b:s4+s28], $0x80, s13, s28, $0xb8;
	[tilespmem:$0x1E800] =	vst v63  }
0xb5: {  	s13 =	sadd.s32 $0x400, s12;
	s12 =	sadd.s32 $0x800, s12  }
0xb6: {  	[tilespmem:s0], [sflag:$0x2] =	stream.linear.gather [hbm4b:s13+s2], $0x2000, $0x38;
	[tilespmem:$0x1E800] =	vst v63  }
0xb7: {  	_ =	swait.ge [sflag:s3], $0x2000  }
0xb8: {  	[sflag:s3] =	ssyncset.done $0x0  }
0xb9: {  	[sflag:s3] =	ssyncadd.s32 $0xFFFFE000  }
0xba: {  	_ =	swait.ge [sflag:s3], $0x2000  }
0xbb: {  	[sflag:s3] =	ssyncset.done $0x0  }
0xbc: {  	[sflag:s3] =	ssyncadd.s32 $0xFFFFE000  }
0xbd: {  	[spmem:s1] =	stream.indirect.scatter.add.f32 [tilespmem:s24], [sflag:$0x3], $0x80, s19, s30, $0xb8;
	[tilespmem:$0x1E800] =	vst v63  }
0xbe: {  	_ =	swait.ge [sflag:s8], $0x2000  }
0xbf: {  	[sflag:s8] =	ssyncset.done $0x0  }
0xc0: {  	[sflag:s8] =	ssyncadd.s32 $0xFFFFE000  }
0xc1: {  	_ =	swait.ge [sflag:s8], $0x2000  }
0xc2: {  	[sflag:s8] =	ssyncset.done $0x0  }
0xc3: {  	[sflag:s8] =	ssyncadd.s32 $0xFFFFE000  }
0xc4: {  	[spmem:s1] =	stream.indirect.scatter.add.f32 [tilespmem:s31], [sflag:$0x4], $0x80, s20, s30, $0xb8;
	[tilespmem:$0x1E800] =	vst v63  }
0xc5: {  	_ =	swait.ge [sflag:s17], $0x4000  }
.Ltmp6:
0xc6: {  	[sflag:s17] =	ssyncset.done $0x0;
	(pc) =	sbr.rel .LBB2_6-.Ltmp6, $4  }
0xc7: {  	[sflag:s17] =	ssyncadd.s32 $0xFFFFC000  }
0xc8: {  	_ =	swait.ge [sflag:s18], $0x4000  }
0xc9: {  	[sflag:s18] =	ssyncset.done $0x0  }
0xca: {  	s12 =	smov.u32 s15;
	[sflag:s18] =	ssyncadd.s32 $0xFFFFC000  }
.LBB2_8:
0xcb: {  	_ =	sfence.sel $0x180000  }
0xcc: {  	[bflag:$0x0] =	sbarrier.arrive $0xFFFF  }
0xcd: {  	_ =	strace $0x90000047  }
0xce: {  	s0 =	stileid.u32;
	[bflag:$0x2] =	sbarrier.arrive $0xFFFF  }
0xcf: {  	p0 =	sne.s32 s0, $0x0;
	s0 =	rddreg [dreg:$0x2]  }
0xd0: {  	s0 =	sadd.s32 @!p0 $0x100000, s0  }
0xd1: {  	[sflag:s0] =	ssyncadd.tile.s32 @!p0 $0x1;
	_ =	shalt  }
.Lfunc_end2:
_tile_overlayer_lowered:
.L_overlay_start_2:
0xd2: {  	(tag) =	ssettag $0x2  }
0xd3: {  	s0 =	rddreg [dreg:$0x0];
	s2 =	stileid.u32  }
0xd4: {  	s1 =	rddreg [dreg:$0x1];
	p0 =	sne.s32 s2, $0x0  }
0xd5: {  	s3 =	rddreg [dreg:$0x2];
	[bflag:$0x3] =	sbarrier.arrive $0xFFFF;
	s2 =	simm.s32 @!p0 $0x1C05  }
0xd6: {  	[timem:s3], [sflag:s2] =	dma.local @!p0 [hbm:s0], s1  }
0xd7: {  	s0 =	simm.s32 @!p0 $0x5  }
0xd8: {  	_ =	swait.ge @!p0 [sflag:s0], s1  }
0xd9: {  	s1 =	ssub.s32 @!p0 $0x0, s1;
	[sflag:s0] =	ssyncset.done @!p0 $0x0  }
0xda: {  	[sflag:s0] =	ssyncadd.s32 @!p0 s1  }
0xdb: {  	[bflag:$0x3] =	sbarrier.arrive $0xFFFF  }
0xdc: {  	_ =	shalt  }

</sc_bundles>
